<compile_context>
chip_gen: v7x
topology: tpu7x:2x2x1
jax: 0.10.2.dev20260603
libtpu: 0.0.44.dev20260713+nightly
codegen_flags: <defaults>
</compile_context>

<pallas_src>
import jax
import jax.numpy as jnp
from jax import lax
from jax.experimental import pallas as pl

N = 10000
E = 320000
F = 128
H = 10
OUT = 1024
HF = H * F

NP_ = 10240
ET = E + N
EB = 512
ETP = 330240
NEB = ETP // EB


def _tc_a_body(node_ref, w1_ref, atts_ref, attd_ref, xh_ref, as_ref, ad_ref):
    xh = jnp.dot(node_ref[...], w1_ref[...],
                 preferred_element_type=jnp.float32)
    xh_ref[...] = xh
    j = lax.broadcasted_iota(jnp.int32, (HF, 16), 0)
    l = lax.broadcasted_iota(jnp.int32, (HF, 16), 1)
    G = jnp.where(j // F == l, 1.0, 0.0).astype(jnp.float32)
    as_ref[...] = jnp.dot(xh * atts_ref[...], G,
                          preferred_element_type=jnp.float32)
    ad_ref[...] = jnp.dot(xh * attd_ref[...], G,
                          preferred_element_type=jnp.float32)


def _tc_a(node_p, W1, att_src, att_dst):
    B = 256
    return pl.pallas_call(
        _tc_a_body,
        grid=(NP_ // B,),
        in_specs=[
            pl.BlockSpec((B, F), lambda i: (i, 0)),
            pl.BlockSpec((F, HF), lambda i: (0, 0)),
            pl.BlockSpec((1, HF), lambda i: (0, 0)),
            pl.BlockSpec((1, HF), lambda i: (0, 0)),
        ],
        out_specs=[
            pl.BlockSpec((B, HF), lambda i: (i, 0)),
            pl.BlockSpec((B, 16), lambda i: (i, 0)),
            pl.BlockSpec((B, 16), lambda i: (i, 0)),
        ],
        out_shape=[
            jax.ShapeDtypeStruct((NP_, HF), jnp.float32),
            jax.ShapeDtypeStruct((NP_, 16), jnp.float32),
            jax.ShapeDtypeStruct((NP_, 16), jnp.float32),
        ],
    )(node_p, W1, att_src.reshape(1, HF), att_dst.reshape(1, HF))


def _edge_p_body(as_e_ref, ad_e_ref, p_ref):
    s = as_e_ref[...] + ad_e_ref[...]
    s = jnp.where(s >= 0.0, s, 0.2 * s)
    p_ref[...] = jnp.exp(s)


def _edge_p(as_e, ad_e):
    return pl.pallas_call(
        _edge_p_body,
        grid=(NEB,),
        in_specs=[
            pl.BlockSpec((EB, 16), lambda i: (i, 0)),
            pl.BlockSpec((EB, 16), lambda i: (i, 0)),
        ],
        out_specs=pl.BlockSpec((EB, 16), lambda i: (i, 0)),
        out_shape=jax.ShapeDtypeStruct((ETP, 16), jnp.float32),
    )(as_e, ad_e)


def _edge_msg_body(xh_e_ref, p_ref, den_ref, msg_ref):
    alpha = p_ref[...] / (den_ref[...] + 1e-16)
    l = lax.broadcasted_iota(jnp.int32, (16, HF), 0)
    j = lax.broadcasted_iota(jnp.int32, (16, HF), 1)
    R = jnp.where(l == j // F, 1.0, 0.0).astype(jnp.float32)
    a1280 = jnp.dot(alpha, R, preferred_element_type=jnp.float32)
    msg_ref[...] = xh_e_ref[...] * a1280


def _edge_msg(xh_e, p_e, den_e):
    return pl.pallas_call(
        _edge_msg_body,
        grid=(NEB,),
        in_specs=[
            pl.BlockSpec((EB, HF), lambda i: (i, 0)),
            pl.BlockSpec((EB, 16), lambda i: (i, 0)),
            pl.BlockSpec((EB, 16), lambda i: (i, 0)),
        ],
        out_specs=pl.BlockSpec((EB, HF), lambda i: (i, 0)),
        out_shape=jax.ShapeDtypeStruct((ETP, HF), jnp.float32),
    )(xh_e, p_e, den_e)


def _edge_gcn_body(xw_e_ref, ds_ref, dd_ref, msg_ref):
    norm = ds_ref[...] * dd_ref[...]
    msg_ref[...] = xw_e_ref[...] * norm


def _edge_gcn(xw_e, dinv_s, dinv_d):
    return pl.pallas_call(
        _edge_gcn_body,
        grid=(NEB,),
        in_specs=[
            pl.BlockSpec((EB, HF), lambda i: (i, 0)),
            pl.BlockSpec((EB, 1), lambda i: (i, 0)),
            pl.BlockSpec((EB, 1), lambda i: (i, 0)),
        ],
        out_specs=pl.BlockSpec((EB, HF), lambda i: (i, 0)),
        out_shape=jax.ShapeDtypeStruct((ETP, HF), jnp.float32),
    )(xw_e, dinv_s, dinv_d)


def _tc_j_body(gat_ref, b1_ref, w2_ref, deg_ref, xw_ref, dinv_ref):
    x2 = jnp.maximum(gat_ref[...] + b1_ref[...], 0.0)
    xw_ref[...] = jnp.dot(x2, w2_ref[...], preferred_element_type=jnp.float32)
    deg = deg_ref[...]
    dinv_ref[...] = jnp.where(deg > 0.0,
                              lax.rsqrt(jnp.maximum(deg, 1e-30)), 0.0)


def _tc_j(gat, b1, W2, deg_in):
    B = 256
    return pl.pallas_call(
        _tc_j_body,
        grid=(NP_ // B,),
        in_specs=[
            pl.BlockSpec((B, HF), lambda i: (i, 0)),
            pl.BlockSpec((1, HF), lambda i: (0, 0)),
            pl.BlockSpec((HF, HF), lambda i: (0, 0)),
            pl.BlockSpec((B, 1), lambda i: (i, 0)),
        ],
        out_specs=[
            pl.BlockSpec((B, HF), lambda i: (i, 0)),
            pl.BlockSpec((B, 1), lambda i: (i, 0)),
        ],
        out_shape=[
            jax.ShapeDtypeStruct((NP_, HF), jnp.float32),
            jax.ShapeDtypeStruct((NP_, 1), jnp.float32),
        ],
    )(gat, b1.reshape(1, HF), W2, deg_in)


def _tc_n_body(gcn_ref, b2_ref, w3_ref, b3_ref, out_ref):
    x3 = jnp.maximum(gcn_ref[...] + b2_ref[...], 0.0)
    out_ref[...] = jnp.dot(x3, w3_ref[...],
                           preferred_element_type=jnp.float32) + b3_ref[...]


def _tc_n(gcn, b2, W3, b3):
    B = 256
    return pl.pallas_call(
        _tc_n_body,
        grid=(NP_ // B,),
        in_specs=[
            pl.BlockSpec((B, HF), lambda i: (i, 0)),
            pl.BlockSpec((1, HF), lambda i: (0, 0)),
            pl.BlockSpec((HF, OUT), lambda i: (0, 0)),
            pl.BlockSpec((1, OUT), lambda i: (0, 0)),
        ],
        out_specs=pl.BlockSpec((B, OUT), lambda i: (i, 0)),
        out_shape=jax.ShapeDtypeStruct((NP_, OUT), jnp.float32),
    )(gcn, b2.reshape(1, HF), W3, b3.reshape(1, OUT))


def kernel(edge_index, node, W1, att_src, att_dst, b1, W2, b2, W3, b3):
    loop = jnp.arange(N, dtype=jnp.int32)
    src = jnp.concatenate([edge_index[0].astype(jnp.int32), loop])
    dst = jnp.concatenate([edge_index[1].astype(jnp.int32), loop])
    src_p = jnp.concatenate([src, jnp.zeros((ETP - ET,), jnp.int32)])
    dst_p = jnp.concatenate([dst, jnp.full((ETP - ET,), N, jnp.int32)])

    node_p = jnp.pad(node, ((0, NP_ - N), (0, 0)))
    xh, as128, ad128 = _tc_a(node_p, W1, att_src, att_dst)

    p = _edge_p(as128[src_p], ad128[dst_p])
    den_node = jax.ops.segment_sum(p, dst_p, num_segments=N + 1)
    msg = _edge_msg(xh[:N][src_p], p, den_node[dst_p])
    gat = jax.ops.segment_sum(msg, dst_p, num_segments=N + 1)[:N]

    deg_in = jnp.pad(den_node[:N, H:H + 1], ((0, NP_ - N), (0, 0)))
    gat_p = jnp.pad(gat, ((0, NP_ - N), (0, 0)))
    xw, dinv = _tc_j(gat_p, b1, W2, deg_in)

    dinv_n = dinv[:N]
    msg2 = _edge_gcn(xw[:N][src_p], dinv_n[src_p], dinv_n[dst_p])
    gcn = jax.ops.segment_sum(msg2, dst_p, num_segments=N + 1)[:N]

    gcn_p = jnp.pad(gcn, ((0, NP_ - N), (0, 0)))
    out = _tc_n(gcn_p, b2, W3, b3)
    return out[:N]

# --- scband reference (transcript-rebuilt; emitter-appended) ---
"""Pipeline reference for scband-node-gat-gcn-35141422415878 (READ-ONLY COPY).

The authoritative reference and input builder live on the scoring server;
editing this copy changes nothing except your own understanding.
"""

import jax, jax.numpy as jnp
import numpy as np

N = 10000
E = 320000
F = 128
H = 10
OUT = 1024


def setup_inputs(seed: int = 0) -> dict:
    key = jax.random.key(seed)
    ks = jax.random.split(key, 10)
    node = jax.random.normal(ks[0], (N, F), dtype=jnp.float32)
    edge_index = jax.random.randint(ks[1], (2, E), 0, N, dtype=jnp.int32)
    W1 = jax.random.normal(ks[2], (F, H * F), dtype=jnp.float32) * 0.05
    att_src = jax.random.normal(ks[3], (H, F), dtype=jnp.float32) * 0.05
    att_dst = jax.random.normal(ks[4], (H, F), dtype=jnp.float32) * 0.05
    b1 = jnp.zeros((H * F,), dtype=jnp.float32)
    W2 = jax.random.normal(ks[5], (H * F, H * F), dtype=jnp.float32) * 0.02
    b2 = jnp.zeros((H * F,), dtype=jnp.float32)
    W3 = jax.random.normal(ks[6], (H * F, OUT), dtype=jnp.float32) * 0.02
    b3 = jnp.zeros((OUT,), dtype=jnp.float32)
    return {"edge_index": edge_index, "node": node, "W1": W1, "att_src": att_src,
            "att_dst": att_dst, "b1": b1, "W2": W2, "b2": b2, "W3": W3, "b3": b3}


def _add_self_loops(edge_index, n):
    loop = jnp.arange(n, dtype=edge_index.dtype)
    src = jnp.concatenate([edge_index[0], loop])
    dst = jnp.concatenate([edge_index[1], loop])
    return src, dst


def _gat_conv(x, edge_index, W1, att_src, att_dst, b1):
    # PyG GATConv(F, F, heads=10), concat=True, add_self_loops=True, leaky_relu slope 0.2
    n = x.shape[0]
    src, dst = _add_self_loops(edge_index, n)
    xh = (x @ W1).reshape(n, H, F)              # [N, H, F]
    a_src = (xh * att_src[None, :, :]).sum(-1)  # [N, H]
    a_dst = (xh * att_dst[None, :, :]).sum(-1)  # [N, H]
    alpha = a_src[src] + a_dst[dst]             # [E+N, H]
    alpha = jax.nn.leaky_relu(alpha, negative_slope=0.2)
    amax = jax.ops.segment_max(alpha, dst, num_segments=n)
    alpha = jnp.exp(alpha - amax[dst])
    denom = jax.ops.segment_sum(alpha, dst, num_segments=n)
    alpha = alpha / (denom[dst] + 1e-16)
    msg = xh[src] * alpha[:, :, None]           # [E+N, H, F]
    out = jax.ops.segment_sum(msg, dst, num_segments=n)  # [N, H, F]
    return out.reshape(n, H * F) + b1


def _gcn_conv(x, edge_index, W2, b2):
    # PyG GCNConv with add_self_loops=True and symmetric normalization
    n = x.shape[0]
    src, dst = _add_self_loops(edge_index, n)
    deg = jax.ops.segment_sum(jnp.ones_like(src, dtype=x.dtype), dst, num_segments=n)
    dinv = jnp.where(deg > 0, 1.0 / jnp.sqrt(deg), 0.0)
    norm = dinv[src] * dinv[dst]                # [E+N]
    xw = x @ W2
    out = jax.ops.segment_sum(xw[src] * norm[:, None], dst, num_segments=n)
    return out + b2


def reference(edge_index, node, W1, att_src, att_dst, b1, W2, b2, W3, b3):
    x = _gat_conv(node, edge_index, W1, att_src, att_dst, b1)
    x = jax.nn.relu(x)
    x = _gcn_conv(x, edge_index, W2, b2)
    x = jax.nn.relu(x)
    x = x @ W3 + b3
    return x

if __name__ == "__main__":
    import jax
    _d = setup_inputs()
    print(jax.jit(kernel)(*tuple(_d.values())))

</pallas_src>

<mosaic_0001>
module attributes {stable_mosaic.version = 14 : i64} {
  func.func @_tc_a_body(%arg0: i32, %arg1: memref<256x128xf32, #tpu.memory_space<vmem>>, %arg2: memref<128x1280xf32, #tpu.memory_space<vmem>>, %arg3: memref<1x1280xf32, #tpu.memory_space<vmem>>, %arg4: memref<1x1280xf32, #tpu.memory_space<vmem>>, %arg5: memref<256x1280xf32, #tpu.memory_space<vmem>>, %arg6: memref<256x16xf32, #tpu.memory_space<vmem>>, %arg7: memref<256x16xf32, #tpu.memory_space<vmem>>) attributes {dimension_semantics = [#tpu.dimension_semantics<arbitrary>], iteration_bounds = array<i64: 40>, scalar_prefetch = 0 : i64, scratch_operands = 0 : i64, tpu.core_type = #tpu.core_type<tc>, window_params = [{transform_indices = @transform_0, window_bounds = array<i64: 256, 128>}, {pipeline_mode = #tpu.pipeline_mode<synchronous>, transform_indices = @transform_1, window_bounds = array<i64: 128, 1280>}, {pipeline_mode = #tpu.pipeline_mode<synchronous>, transform_indices = @transform_2, window_bounds = array<i64: 1, 1280>}, {pipeline_mode = #tpu.pipeline_mode<synchronous>, transform_indices = @transform_3, window_bounds = array<i64: 1, 1280>}, {transform_indices = @transform_4, window_bounds = array<i64: 256, 1280>}, {transform_indices = @transform_5, window_bounds = array<i64: 256, 16>}, {transform_indices = @transform_6, window_bounds = array<i64: 256, 16>}]} {
    %get3A = arith.constant 0 : index
    %get3A_0 = arith.constant 0 : index
    %get3A_1 = vector.load %arg1[%get3A, %get3A_0] : memref<256x128xf32, #tpu.memory_space<vmem>>, vector<256x128xf32>
    %get3A_2 = arith.constant 0 : index
    %get3A_3 = arith.constant 0 : index
    %get3A_4 = vector.load %arg2[%get3A_2, %get3A_3] : memref<128x1280xf32, #tpu.memory_space<vmem>>, vector<128x1280xf32>
    %dot_general3A = arith.constant dense<0.000000e+00> : vector<256x1280xf32>
    %dot_general3A_5 = tpu.matmul %get3A_1, %get3A_4, %dot_general3A {dimension_numbers = #tpu.dot_dimension_numbers<[1], [0], [0], [1], [0, 0, 1, 1], [], []>, transpose_lhs_hint = false} : vector<256x128xf32>, vector<128x1280xf32>, vector<256x1280xf32> -> vector<256x1280xf32>
    %swap3A = arith.constant 0 : index
    %swap3A_6 = arith.constant 0 : index
    %swap3A_7 = vector.load %arg5[%swap3A, %swap3A_6] : memref<256x1280xf32, #tpu.memory_space<vmem>>, vector<256x1280xf32>
    tpu.vector_store %arg5[%swap3A, %swap3A_6], %dot_general3A_5 {strides = array<i32>} : memref<256x1280xf32, #tpu.memory_space<vmem>>, vector<256x1280xf32>,
    %iota3A = tpu.iota {dimensions = array<i32: 0>} : vector<1280x16xi32>
    %iota3A_8 = tpu.iota {dimensions = array<i32: 1>} : vector<1280x16xi32>
    %jit3A = arith.constant 128 : i32
    %div3A = vector.broadcast %jit3A : i32 to vector<1280x16xi32>
    %div3A_9 = arith.divsi %iota3A, %div3A : vector<1280x16xi32>
    %sign3A = arith.constant 0 : i32
    %sign3A_10 = vector.broadcast %sign3A : i32 to vector<1280x16xi32>
    %sign3A_11 = arith.cmpi sgt, %iota3A, %sign3A_10 : vector<1280x16xi32>
    %sign3A_12 = arith.extui %sign3A_11 : vector<1280x16xi1> to vector<1280x16xi32>
    %sign3A_13 = arith.constant 0 : i32
    %sign3A_14 = vector.broadcast %sign3A_13 : i32 to vector<1280x16xi32>
    %sign3A_15 = arith.cmpi slt, %iota3A, %sign3A_14 : vector<1280x16xi32>
    %sign3A_16 = arith.extui %sign3A_15 : vector<1280x16xi1> to vector<1280x16xi32>
    %sign3A_17 = arith.subi %sign3A_12, %sign3A_16 : vector<1280x16xi32>
    %sign3A_18 = arith.constant 0 : i32
    %sign3A_19 = arith.cmpi sgt, %jit3A, %sign3A_18 : i32
    %sign3A_20 = arith.extui %sign3A_19 : i1 to i32
    %sign3A_21 = arith.constant 0 : i32
    %sign3A_22 = arith.cmpi slt, %jit3A, %sign3A_21 : i32
    %sign3A_23 = arith.extui %sign3A_22 : i1 to i32
    %sign3A_24 = arith.subi %sign3A_20, %sign3A_23 : i32
    %ne3A = vector.broadcast %sign3A_24 : i32 to vector<1280x16xi32>
    %ne3A_25 = arith.cmpi ne, %sign3A_17, %ne3A : vector<1280x16xi32>
    %rem3A = vector.broadcast %jit3A : i32 to vector<1280x16xi32>
    %rem3A_26 = arith.remsi %iota3A, %rem3A : vector<1280x16xi32>
    %ne3A_27 = arith.constant 0 : i32
    %ne3A_28 = vector.broadcast %ne3A_27 : i32 to vector<1280x16xi32>
    %ne3A_29 = arith.cmpi ne, %rem3A_26, %ne3A_28 : vector<1280x16xi32>
    %and3A = arith.andi %ne3A_25, %ne3A_29 : vector<1280x16xi1>
    %sub3A = arith.constant 1 : i32
    %sub3A_30 = vector.broadcast %sub3A : i32 to vector<1280x16xi32>
    %sub3A_31 = arith.subi %div3A_9, %sub3A_30 : vector<1280x16xi32>
    %select_n3A = arith.select %and3A, %sub3A_31, %div3A_9 : vector<1280x16xi1>, vector<1280x16xi32>
    %eq3A = arith.cmpi eq, %select_n3A, %iota3A_8 : vector<1280x16xi32>
    %jit3A_32 = arith.constant 1.000000e+00 : f32
    %jit3A_33 = arith.constant 0.000000e+00 : f32
    %broadcast_in_dim3A = vector.broadcast %jit3A_32 : f32 to vector<1280x16xf32>
    %broadcast_in_dim3A_34 = vector.broadcast %jit3A_33 : f32 to vector<1280x16xf32>
    %select_n3A_35 = arith.select %eq3A, %broadcast_in_dim3A, %broadcast_in_dim3A_34 : vector<1280x16xi1>, vector<1280x16xf32>
    %get3A_36 = arith.constant 0 : index
    %get3A_37 = arith.constant 0 : index
    %get3A_38 = vector.load %arg3[%get3A_36, %get3A_37] : memref<1x1280xf32, #tpu.memory_space<vmem>>, vector<1x1280xf32>
    %mul3A = vector.broadcast %get3A_38 : vector<1x1280xf32> to vector<256x1280xf32>
    %mul3A_39 = arith.mulf %dot_general3A_5, %mul3A : vector<256x1280xf32>
    %dot_general3A_40 = arith.constant dense<0.000000e+00> : vector<256x16xf32>
    %dot_general3A_41 = tpu.matmul %mul3A_39, %select_n3A_35, %dot_general3A_40 {dimension_numbers = #tpu.dot_dimension_numbers<[1], [0], [0], [1], [0, 0, 1, 1], [], []>, transpose_lhs_hint = false} : vector<256x1280xf32>, vector<1280x16xf32>, vector<256x16xf32> -> vector<256x16xf32>
    %swap3A_42 = arith.constant 0 : index
    %swap3A_43 = arith.constant 0 : index
    %swap3A_44 = vector.load %arg6[%swap3A_42, %swap3A_43] : memref<256x16xf32, #tpu.memory_space<vmem>>, vector<256x16xf32>
    tpu.vector_store %arg6[%swap3A_42, %swap3A_43], %dot_general3A_41 {strides = array<i32>} : memref<256x16xf32, #tpu.memory_space<vmem>>, vector<256x16xf32>,
    %get3A_45 = arith.constant 0 : index
    %get3A_46 = arith.constant 0 : index
    %get3A_47 = vector.load %arg4[%get3A_45, %get3A_46] : memref<1x1280xf32, #tpu.memory_space<vmem>>, vector<1x1280xf32>
    %mul3A_48 = vector.broadcast %get3A_47 : vector<1x1280xf32> to vector<256x1280xf32>
    %mul3A_49 = arith.mulf %dot_general3A_5, %mul3A_48 : vector<256x1280xf32>
    %dot_general3A_50 = arith.constant dense<0.000000e+00> : vector<256x16xf32>
    %dot_general3A_51 = tpu.matmul %mul3A_49, %select_n3A_35, %dot_general3A_50 {dimension_numbers = #tpu.dot_dimension_numbers<[1], [0], [0], [1], [0, 0, 1, 1], [], []>, transpose_lhs_hint = false} : vector<256x1280xf32>, vector<1280x16xf32>, vector<256x16xf32> -> vector<256x16xf32>
    %swap3A_52 = arith.constant 0 : index
    %swap3A_53 = arith.constant 0 : index
    %swap3A_54 = vector.load %arg7[%swap3A_52, %swap3A_53] : memref<256x16xf32, #tpu.memory_space<vmem>>, vector<256x16xf32>
    tpu.vector_store %arg7[%swap3A_52, %swap3A_53], %dot_general3A_51 {strides = array<i32>} : memref<256x16xf32, #tpu.memory_space<vmem>>, vector<256x16xf32>,
    return
  }
  func.func @transform_0(%arg0: i32) -> (i32, i32) {
    %c0_i32 = arith.constant 0 : i32
    %c0_i32_0 = arith.constant 0 : i32
    return %arg0, %c0_i32 : i32, i32
  }
  func.func @transform_1(%arg0: i32) -> (i32, i32) {
    %c0_i32 = arith.constant 0 : i32
    %c0_i32_0 = arith.constant 0 : i32
    %c0_i32_1 = arith.constant 0 : i32
    return %c0_i32, %c0_i32_0 : i32, i32
  }
  func.func @transform_2(%arg0: i32) -> (i32, i32) {
    %c0_i32 = arith.constant 0 : i32
    %c0_i32_0 = arith.constant 0 : i32
    %c0_i32_1 = arith.constant 0 : i32
    return %c0_i32, %c0_i32_0 : i32, i32
  }
  func.func @transform_3(%arg0: i32) -> (i32, i32) {
    %c0_i32 = arith.constant 0 : i32
    %c0_i32_0 = arith.constant 0 : i32
    %c0_i32_1 = arith.constant 0 : i32
    return %c0_i32, %c0_i32_0 : i32, i32
  }
  func.func @transform_4(%arg0: i32) -> (i32, i32) {
    %c0_i32 = arith.constant 0 : i32
    %c0_i32_0 = arith.constant 0 : i32
    return %arg0, %c0_i32 : i32, i32
  }
  func.func @transform_5(%arg0: i32) -> (i32, i32) {
    %c0_i32 = arith.constant 0 : i32
    %c0_i32_0 = arith.constant 0 : i32
    return %arg0, %c0_i32 : i32, i32
  }
  func.func @transform_6(%arg0: i32) -> (i32, i32) {
    %c0_i32 = arith.constant 0 : i32
    %c0_i32_0 = arith.constant 0 : i32
    return %arg0, %c0_i32 : i32, i32
  }
}

module attributes {stable_mosaic.version = 14 : i64} {
  func.func @_edge_p_body(%arg0: i32, %arg1: memref<512x16xf32, #tpu.memory_space<vmem>>, %arg2: memref<512x16xf32, #tpu.memory_space<vmem>>, %arg3: memref<512x16xf32, #tpu.memory_space<vmem>>) attributes {dimension_semantics = [#tpu.dimension_semantics<arbitrary>], iteration_bounds = array<i64: 645>, scalar_prefetch = 0 : i64, scratch_operands = 0 : i64, tpu.core_type = #tpu.core_type<tc>, window_params = [{transform_indices = @transform_0, window_bounds = array<i64: 512, 16>}, {transform_indices = @transform_1, window_bounds = array<i64: 512, 16>}, {transform_indices = @transform_2, window_bounds = array<i64: 512, 16>}]} {
    %get3A = arith.constant 0 : index
    %get3A_0 = arith.constant 0 : index
    %get3A_1 = vector.load %arg1[%get3A, %get3A_0] : memref<512x16xf32, #tpu.memory_space<vmem>>, vector<512x16xf32>
    %get3A_2 = arith.constant 0 : index
    %get3A_3 = arith.constant 0 : index
    %get3A_4 = vector.load %arg2[%get3A_2, %get3A_3] : memref<512x16xf32, #tpu.memory_space<vmem>>, vector<512x16xf32>
    %add3A = arith.addf %get3A_1, %get3A_4 : vector<512x16xf32>
    %ge3A = arith.constant 0.000000e+00 : f32
    %ge3A_5 = vector.broadcast %ge3A : f32 to vector<512x16xf32>
    %ge3A_6 = arith.cmpf oge, %add3A, %ge3A_5 : vector<512x16xf32>
    %mul3A = arith.constant 2.000000e-01 : f32
    %mul3A_7 = vector.broadcast %mul3A : f32 to vector<512x16xf32>
    %mul3A_8 = arith.mulf %mul3A_7, %add3A : vector<512x16xf32>
    %select_n3A = arith.select %ge3A_6, %add3A, %mul3A_8 : vector<512x16xi1>, vector<512x16xf32>
    %exp3A = math.exp %select_n3A : vector<512x16xf32>
    %swap3A = arith.constant 0 : index
    %swap3A_9 = arith.constant 0 : index
    %swap3A_10 = vector.load %arg3[%swap3A, %swap3A_9] : memref<512x16xf32, #tpu.memory_space<vmem>>, vector<512x16xf32>
    tpu.vector_store %arg3[%swap3A, %swap3A_9], %exp3A {strides = array<i32>} : memref<512x16xf32, #tpu.memory_space<vmem>>, vector<512x16xf32>,
    return
  }
  func.func @transform_0(%arg0: i32) -> (i32, i32) {
    %c0_i32 = arith.constant 0 : i32
    %c0_i32_0 = arith.constant 0 : i32
    return %arg0, %c0_i32 : i32, i32
  }
  func.func @transform_1(%arg0: i32) -> (i32, i32) {
    %c0_i32 = arith.constant 0 : i32
    %c0_i32_0 = arith.constant 0 : i32
    return %arg0, %c0_i32 : i32, i32
  }
  func.func @transform_2(%arg0: i32) -> (i32, i32) {
    %c0_i32 = arith.constant 0 : i32
    %c0_i32_0 = arith.constant 0 : i32
    return %arg0, %c0_i32 : i32, i32
  }
}

module attributes {stable_mosaic.version = 14 : i64} {
  func.func @_edge_msg_body(%arg0: i32, %arg1: memref<512x1280xf32, #tpu.memory_space<vmem>>, %arg2: memref<512x16xf32, #tpu.memory_space<vmem>>, %arg3: memref<512x16xf32, #tpu.memory_space<vmem>>, %arg4: memref<512x1280xf32, #tpu.memory_space<vmem>>) attributes {dimension_semantics = [#tpu.dimension_semantics<arbitrary>], iteration_bounds = array<i64: 645>, scalar_prefetch = 0 : i64, scratch_operands = 0 : i64, tpu.core_type = #tpu.core_type<tc>, window_params = [{transform_indices = @transform_0, window_bounds = array<i64: 512, 1280>}, {transform_indices = @transform_1, window_bounds = array<i64: 512, 16>}, {transform_indices = @transform_2, window_bounds = array<i64: 512, 16>}, {transform_indices = @transform_3, window_bounds = array<i64: 512, 1280>}]} {
    %get3A = arith.constant 0 : index
    %get3A_0 = arith.constant 0 : index
    %get3A_1 = vector.load %arg2[%get3A, %get3A_0] : memref<512x16xf32, #tpu.memory_space<vmem>>, vector<512x16xf32>
    %get3A_2 = arith.constant 0 : index
    %get3A_3 = arith.constant 0 : index
    %get3A_4 = vector.load %arg3[%get3A_2, %get3A_3] : memref<512x16xf32, #tpu.memory_space<vmem>>, vector<512x16xf32>
    %add3A = arith.constant 1.000000e-16 : f32
    %add3A_5 = vector.broadcast %add3A : f32 to vector<512x16xf32>
    %add3A_6 = arith.addf %get3A_4, %add3A_5 : vector<512x16xf32>
    %div3A = arith.divf %get3A_1, %add3A_6 : vector<512x16xf32>
    %iota3A = tpu.iota {dimensions = array<i32: 0>} : vector<16x1280xi32>
    %iota3A_7 = tpu.iota {dimensions = array<i32: 1>} : vector<16x1280xi32>
    %jit3A = arith.constant 128 : i32
    %div3A_8 = vector.broadcast %jit3A : i32 to vector<16x1280xi32>
    %div3A_9 = arith.divsi %iota3A_7, %div3A_8 : vector<16x1280xi32>
    %sign3A = arith.constant 0 : i32
    %sign3A_10 = vector.broadcast %sign3A : i32 to vector<16x1280xi32>
    %sign3A_11 = arith.cmpi sgt, %iota3A_7, %sign3A_10 : vector<16x1280xi32>
    %sign3A_12 = arith.extui %sign3A_11 : vector<16x1280xi1> to vector<16x1280xi32>
    %sign3A_13 = arith.constant 0 : i32
    %sign3A_14 = vector.broadcast %sign3A_13 : i32 to vector<16x1280xi32>
    %sign3A_15 = arith.cmpi slt, %iota3A_7, %sign3A_14 : vector<16x1280xi32>
    %sign3A_16 = arith.extui %sign3A_15 : vector<16x1280xi1> to vector<16x1280xi32>
    %sign3A_17 = arith.subi %sign3A_12, %sign3A_16 : vector<16x1280xi32>
    %sign3A_18 = arith.constant 0 : i32
    %sign3A_19 = arith.cmpi sgt, %jit3A, %sign3A_18 : i32
    %sign3A_20 = arith.extui %sign3A_19 : i1 to i32
    %sign3A_21 = arith.constant 0 : i32
    %sign3A_22 = arith.cmpi slt, %jit3A, %sign3A_21 : i32
    %sign3A_23 = arith.extui %sign3A_22 : i1 to i32
    %sign3A_24 = arith.subi %sign3A_20, %sign3A_23 : i32
    %ne3A = vector.broadcast %sign3A_24 : i32 to vector<16x1280xi32>
    %ne3A_25 = arith.cmpi ne, %sign3A_17, %ne3A : vector<16x1280xi32>
    %rem3A = vector.broadcast %jit3A : i32 to vector<16x1280xi32>
    %rem3A_26 = arith.remsi %iota3A_7, %rem3A : vector<16x1280xi32>
    %ne3A_27 = arith.constant 0 : i32
    %ne3A_28 = vector.broadcast %ne3A_27 : i32 to vector<16x1280xi32>
    %ne3A_29 = arith.cmpi ne, %rem3A_26, %ne3A_28 : vector<16x1280xi32>
    %and3A = arith.andi %ne3A_25, %ne3A_29 : vector<16x1280xi1>
    %sub3A = arith.constant 1 : i32
    %sub3A_30 = vector.broadcast %sub3A : i32 to vector<16x1280xi32>
    %sub3A_31 = arith.subi %div3A_9, %sub3A_30 : vector<16x1280xi32>
    %select_n3A = arith.select %and3A, %sub3A_31, %div3A_9 : vector<16x1280xi1>, vector<16x1280xi32>
    %eq3A = arith.cmpi eq, %iota3A, %select_n3A : vector<16x1280xi32>
    %jit3A_32 = arith.constant 1.000000e+00 : f32
    %jit3A_33 = arith.constant 0.000000e+00 : f32
    %broadcast_in_dim3A = vector.broadcast %jit3A_32 : f32 to vector<16x1280xf32>
    %broadcast_in_dim3A_34 = vector.broadcast %jit3A_33 : f32 to vector<16x1280xf32>
    %select_n3A_35 = arith.select %eq3A, %broadcast_in_dim3A, %broadcast_in_dim3A_34 : vector<16x1280xi1>, vector<16x1280xf32>
    %dot_general3A = arith.constant dense<0.000000e+00> : vector<512x1280xf32>
    %dot_general3A_36 = tpu.matmul %div3A, %select_n3A_35, %dot_general3A {dimension_numbers = #tpu.dot_dimension_numbers<[1], [0], [0], [1], [0, 0, 1, 1], [], []>, transpose_lhs_hint = false} : vector<512x16xf32>, vector<16x1280xf32>, vector<512x1280xf32> -> vector<512x1280xf32>
    %get3A_37 = arith.constant 0 : index
    %get3A_38 = arith.constant 0 : index
    %get3A_39 = vector.load %arg1[%get3A_37, %get3A_38] : memref<512x1280xf32, #tpu.memory_space<vmem>>, vector<512x1280xf32>
    %mul3A = arith.mulf %get3A_39, %dot_general3A_36 : vector<512x1280xf32>
    %swap3A = arith.constant 0 : index
    %swap3A_40 = arith.constant 0 : index
    %swap3A_41 = vector.load %arg4[%swap3A, %swap3A_40] : memref<512x1280xf32, #tpu.memory_space<vmem>>, vector<512x1280xf32>
    tpu.vector_store %arg4[%swap3A, %swap3A_40], %mul3A {strides = array<i32>} : memref<512x1280xf32, #tpu.memory_space<vmem>>, vector<512x1280xf32>,
    return
  }
  func.func @transform_0(%arg0: i32) -> (i32, i32) {
    %c0_i32 = arith.constant 0 : i32
    %c0_i32_0 = arith.constant 0 : i32
    return %arg0, %c0_i32 : i32, i32
  }
  func.func @transform_1(%arg0: i32) -> (i32, i32) {
    %c0_i32 = arith.constant 0 : i32
    %c0_i32_0 = arith.constant 0 : i32
    return %arg0, %c0_i32 : i32, i32
  }
  func.func @transform_2(%arg0: i32) -> (i32, i32) {
    %c0_i32 = arith.constant 0 : i32
    %c0_i32_0 = arith.constant 0 : i32
    return %arg0, %c0_i32 : i32, i32
  }
  func.func @transform_3(%arg0: i32) -> (i32, i32) {
    %c0_i32 = arith.constant 0 : i32
    %c0_i32_0 = arith.constant 0 : i32
    return %arg0, %c0_i32 : i32, i32
  }
}

module attributes {stable_mosaic.version = 14 : i64} {
  func.func @_tc_j_body(%arg0: i32, %arg1: memref<256x1280xf32, #tpu.memory_space<vmem>>, %arg2: memref<1x1280xf32, #tpu.memory_space<vmem>>, %arg3: memref<1280x1280xf32, #tpu.memory_space<vmem>>, %arg4: memref<256x1xf32, #tpu.memory_space<vmem>>, %arg5: memref<256x1280xf32, #tpu.memory_space<vmem>>, %arg6: memref<256x1xf32, #tpu.memory_space<vmem>>) attributes {dimension_semantics = [#tpu.dimension_semantics<arbitrary>], iteration_bounds = array<i64: 40>, scalar_prefetch = 0 : i64, scratch_operands = 0 : i64, tpu.core_type = #tpu.core_type<tc>, window_params = [{transform_indices = @transform_0, window_bounds = array<i64: 256, 1280>}, {pipeline_mode = #tpu.pipeline_mode<synchronous>, transform_indices = @transform_1, window_bounds = array<i64: 1, 1280>}, {pipeline_mode = #tpu.pipeline_mode<synchronous>, transform_indices = @transform_2, window_bounds = array<i64: 1280, 1280>}, {transform_indices = @transform_3, window_bounds = array<i64: 256, 1>}, {transform_indices = @transform_4, window_bounds = array<i64: 256, 1280>}, {transform_indices = @transform_5, window_bounds = array<i64: 256, 1>}]} {
    %get3A = arith.constant 0 : index
    %get3A_0 = arith.constant 0 : index
    %get3A_1 = vector.load %arg1[%get3A, %get3A_0] : memref<256x1280xf32, #tpu.memory_space<vmem>>, vector<256x1280xf32>
    %get3A_2 = arith.constant 0 : index
    %get3A_3 = arith.constant 0 : index
    %get3A_4 = vector.load %arg2[%get3A_2, %get3A_3] : memref<1x1280xf32, #tpu.memory_space<vmem>>, vector<1x1280xf32>
    %add3A = vector.broadcast %get3A_4 : vector<1x1280xf32> to vector<256x1280xf32>
    %add3A_5 = arith.addf %get3A_1, %add3A : vector<256x1280xf32>
    %max3A = arith.constant 0.000000e+00 : f32
    %max3A_6 = vector.broadcast %max3A : f32 to vector<256x1280xf32>
    %max3A_7 = arith.maximumf %add3A_5, %max3A_6 : vector<256x1280xf32>
    %get3A_8 = arith.constant 0 : index
    %get3A_9 = arith.constant 0 : index
    %get3A_10 = vector.load %arg3[%get3A_8, %get3A_9] : memref<1280x1280xf32, #tpu.memory_space<vmem>>, vector<1280x1280xf32>
    %dot_general3A = arith.constant dense<0.000000e+00> : vector<256x1280xf32>
    %dot_general3A_11 = tpu.matmul %max3A_7, %get3A_10, %dot_general3A {dimension_numbers = #tpu.dot_dimension_numbers<[1], [0], [0], [1], [0, 0, 1, 1], [], []>, transpose_lhs_hint = false} : vector<256x1280xf32>, vector<1280x1280xf32>, vector<256x1280xf32> -> vector<256x1280xf32>
    %swap3A = arith.constant 0 : index
    %swap3A_12 = arith.constant 0 : index
    %swap3A_13 = vector.load %arg5[%swap3A, %swap3A_12] : memref<256x1280xf32, #tpu.memory_space<vmem>>, vector<256x1280xf32>
    tpu.vector_store %arg5[%swap3A, %swap3A_12], %dot_general3A_11 {strides = array<i32>} : memref<256x1280xf32, #tpu.memory_space<vmem>>, vector<256x1280xf32>,
    %get3A_14 = arith.constant 0 : index
    %get3A_15 = arith.constant 0 : index
    %get3A_16 = vector.load %arg4[%get3A_14, %get3A_15] : memref<256x1xf32, #tpu.memory_space<vmem>>, vector<256x1xf32>
    %gt3A = arith.constant 0.000000e+00 : f32
    %gt3A_17 = vector.broadcast %gt3A : f32 to vector<256x1xf32>
    %gt3A_18 = arith.cmpf ogt, %get3A_16, %gt3A_17 : vector<256x1xf32>
    %max3A_19 = arith.constant 1.000000e-30 : f32
    %max3A_20 = vector.broadcast %max3A_19 : f32 to vector<256x1xf32>
    %max3A_21 = arith.maximumf %get3A_16, %max3A_20 : vector<256x1xf32>
    %rsqrt3A = math.rsqrt %max3A_21 : vector<256x1xf32>
    %jit3A = arith.constant 0.000000e+00 : f32
    %broadcast_in_dim3A = vector.broadcast %jit3A : f32 to vector<256x1xf32>
    %select_n3A = arith.select %gt3A_18, %rsqrt3A, %broadcast_in_dim3A : vector<256x1xi1>, vector<256x1xf32>
    %swap3A_22 = arith.constant 0 : index
    %swap3A_23 = arith.constant 0 : index
    %swap3A_24 = vector.load %arg6[%swap3A_22, %swap3A_23] : memref<256x1xf32, #tpu.memory_space<vmem>>, vector<256x1xf32>
    tpu.vector_store %arg6[%swap3A_22, %swap3A_23], %select_n3A {strides = array<i32>} : memref<256x1xf32, #tpu.memory_space<vmem>>, vector<256x1xf32>,
    return
  }
  func.func @transform_0(%arg0: i32) -> (i32, i32) {
    %c0_i32 = arith.constant 0 : i32
    %c0_i32_0 = arith.constant 0 : i32
    return %arg0, %c0_i32 : i32, i32
  }
  func.func @transform_1(%arg0: i32) -> (i32, i32) {
    %c0_i32 = arith.constant 0 : i32
    %c0_i32_0 = arith.constant 0 : i32
    %c0_i32_1 = arith.constant 0 : i32
    return %c0_i32, %c0_i32_0 : i32, i32
  }
  func.func @transform_2(%arg0: i32) -> (i32, i32) {
    %c0_i32 = arith.constant 0 : i32
    %c0_i32_0 = arith.constant 0 : i32
    %c0_i32_1 = arith.constant 0 : i32
    return %c0_i32, %c0_i32_0 : i32, i32
  }
  func.func @transform_3(%arg0: i32) -> (i32, i32) {
    %c0_i32 = arith.constant 0 : i32
    %c0_i32_0 = arith.constant 0 : i32
    return %arg0, %c0_i32 : i32, i32
  }
  func.func @transform_4(%arg0: i32) -> (i32, i32) {
    %c0_i32 = arith.constant 0 : i32
    %c0_i32_0 = arith.constant 0 : i32
    return %arg0, %c0_i32 : i32, i32
  }
  func.func @transform_5(%arg0: i32) -> (i32, i32) {
    %c0_i32 = arith.constant 0 : i32
    %c0_i32_0 = arith.constant 0 : i32
    return %arg0, %c0_i32 : i32, i32
  }
}

module attributes {stable_mosaic.version = 14 : i64} {
  func.func @_edge_gcn_body(%arg0: i32, %arg1: memref<512x1280xf32, #tpu.memory_space<vmem>>, %arg2: memref<512x1xf32, #tpu.memory_space<vmem>>, %arg3: memref<512x1xf32, #tpu.memory_space<vmem>>, %arg4: memref<512x1280xf32, #tpu.memory_space<vmem>>) attributes {dimension_semantics = [#tpu.dimension_semantics<arbitrary>], iteration_bounds = array<i64: 645>, scalar_prefetch = 0 : i64, scratch_operands = 0 : i64, tpu.core_type = #tpu.core_type<tc>, window_params = [{transform_indices = @transform_0, window_bounds = array<i64: 512, 1280>}, {transform_indices = @transform_1, window_bounds = array<i64: 512, 1>}, {transform_indices = @transform_2, window_bounds = array<i64: 512, 1>}, {transform_indices = @transform_3, window_bounds = array<i64: 512, 1280>}]} {
    %get3A = arith.constant 0 : index
    %get3A_0 = arith.constant 0 : index
    %get3A_1 = vector.load %arg2[%get3A, %get3A_0] : memref<512x1xf32, #tpu.memory_space<vmem>>, vector<512x1xf32>
    %get3A_2 = arith.constant 0 : index
    %get3A_3 = arith.constant 0 : index
    %get3A_4 = vector.load %arg3[%get3A_2, %get3A_3] : memref<512x1xf32, #tpu.memory_space<vmem>>, vector<512x1xf32>
    %mul3A = arith.mulf %get3A_1, %get3A_4 : vector<512x1xf32>
    %get3A_5 = arith.constant 0 : index
    %get3A_6 = arith.constant 0 : index
    %get3A_7 = vector.load %arg1[%get3A_5, %get3A_6] : memref<512x1280xf32, #tpu.memory_space<vmem>>, vector<512x1280xf32>
    %mul3A_8 = vector.broadcast %mul3A : vector<512x1xf32> to vector<512x1280xf32>
    %mul3A_9 = arith.mulf %get3A_7, %mul3A_8 : vector<512x1280xf32>
    %swap3A = arith.constant 0 : index
    %swap3A_10 = arith.constant 0 : index
    %swap3A_11 = vector.load %arg4[%swap3A, %swap3A_10] : memref<512x1280xf32, #tpu.memory_space<vmem>>, vector<512x1280xf32>
    tpu.vector_store %arg4[%swap3A, %swap3A_10], %mul3A_9 {strides = array<i32>} : memref<512x1280xf32, #tpu.memory_space<vmem>>, vector<512x1280xf32>,
    return
  }
  func.func @transform_0(%arg0: i32) -> (i32, i32) {
    %c0_i32 = arith.constant 0 : i32
    %c0_i32_0 = arith.constant 0 : i32
    return %arg0, %c0_i32 : i32, i32
  }
  func.func @transform_1(%arg0: i32) -> (i32, i32) {
    %c0_i32 = arith.constant 0 : i32
    %c0_i32_0 = arith.constant 0 : i32
    return %arg0, %c0_i32 : i32, i32
  }
  func.func @transform_2(%arg0: i32) -> (i32, i32) {
    %c0_i32 = arith.constant 0 : i32
    %c0_i32_0 = arith.constant 0 : i32
    return %arg0, %c0_i32 : i32, i32
  }
  func.func @transform_3(%arg0: i32) -> (i32, i32) {
    %c0_i32 = arith.constant 0 : i32
    %c0_i32_0 = arith.constant 0 : i32
    return %arg0, %c0_i32 : i32, i32
  }
}

module attributes {stable_mosaic.version = 14 : i64} {
  func.func @_tc_n_body(%arg0: i32, %arg1: memref<256x1280xf32, #tpu.memory_space<vmem>>, %arg2: memref<1x1280xf32, #tpu.memory_space<vmem>>, %arg3: memref<1280x1024xf32, #tpu.memory_space<vmem>>, %arg4: memref<1x1024xf32, #tpu.memory_space<vmem>>, %arg5: memref<256x1024xf32, #tpu.memory_space<vmem>>) attributes {dimension_semantics = [#tpu.dimension_semantics<arbitrary>], iteration_bounds = array<i64: 40>, scalar_prefetch = 0 : i64, scratch_operands = 0 : i64, tpu.core_type = #tpu.core_type<tc>, window_params = [{transform_indices = @transform_0, window_bounds = array<i64: 256, 1280>}, {pipeline_mode = #tpu.pipeline_mode<synchronous>, transform_indices = @transform_1, window_bounds = array<i64: 1, 1280>}, {pipeline_mode = #tpu.pipeline_mode<synchronous>, transform_indices = @transform_2, window_bounds = array<i64: 1280, 1024>}, {pipeline_mode = #tpu.pipeline_mode<synchronous>, transform_indices = @transform_3, window_bounds = array<i64: 1, 1024>}, {transform_indices = @transform_4, window_bounds = array<i64: 256, 1024>}]} {
    %get3A = arith.constant 0 : index
    %get3A_0 = arith.constant 0 : index
    %get3A_1 = vector.load %arg1[%get3A, %get3A_0] : memref<256x1280xf32, #tpu.memory_space<vmem>>, vector<256x1280xf32>
    %get3A_2 = arith.constant 0 : index
    %get3A_3 = arith.constant 0 : index
    %get3A_4 = vector.load %arg2[%get3A_2, %get3A_3] : memref<1x1280xf32, #tpu.memory_space<vmem>>, vector<1x1280xf32>
    %add3A = vector.broadcast %get3A_4 : vector<1x1280xf32> to vector<256x1280xf32>
    %add3A_5 = arith.addf %get3A_1, %add3A : vector<256x1280xf32>
    %max3A = arith.constant 0.000000e+00 : f32
    %max3A_6 = vector.broadcast %max3A : f32 to vector<256x1280xf32>
    %max3A_7 = arith.maximumf %add3A_5, %max3A_6 : vector<256x1280xf32>
    %get3A_8 = arith.constant 0 : index
    %get3A_9 = arith.constant 0 : index
    %get3A_10 = vector.load %arg3[%get3A_8, %get3A_9] : memref<1280x1024xf32, #tpu.memory_space<vmem>>, vector<1280x1024xf32>
    %dot_general3A = arith.constant dense<0.000000e+00> : vector<256x1024xf32>
    %dot_general3A_11 = tpu.matmul %max3A_7, %get3A_10, %dot_general3A {dimension_numbers = #tpu.dot_dimension_numbers<[1], [0], [0], [1], [0, 0, 1, 1], [], []>, transpose_lhs_hint = false} : vector<256x1280xf32>, vector<1280x1024xf32>, vector<256x1024xf32> -> vector<256x1024xf32>
    %get3A_12 = arith.constant 0 : index
    %get3A_13 = arith.constant 0 : index
    %get3A_14 = vector.load %arg4[%get3A_12, %get3A_13] : memref<1x1024xf32, #tpu.memory_space<vmem>>, vector<1x1024xf32>
    %add3A_15 = vector.broadcast %get3A_14 : vector<1x1024xf32> to vector<256x1024xf32>
    %add3A_16 = arith.addf %dot_general3A_11, %add3A_15 : vector<256x1024xf32>
    %swap3A = arith.constant 0 : index
    %swap3A_17 = arith.constant 0 : index
    %swap3A_18 = vector.load %arg5[%swap3A, %swap3A_17] : memref<256x1024xf32, #tpu.memory_space<vmem>>, vector<256x1024xf32>
    tpu.vector_store %arg5[%swap3A, %swap3A_17], %add3A_16 {strides = array<i32>} : memref<256x1024xf32, #tpu.memory_space<vmem>>, vector<256x1024xf32>,
    return
  }
  func.func @transform_0(%arg0: i32) -> (i32, i32) {
    %c0_i32 = arith.constant 0 : i32
    %c0_i32_0 = arith.constant 0 : i32
    return %arg0, %c0_i32 : i32, i32
  }
  func.func @transform_1(%arg0: i32) -> (i32, i32) {
    %c0_i32 = arith.constant 0 : i32
    %c0_i32_0 = arith.constant 0 : i32
    %c0_i32_1 = arith.constant 0 : i32
    return %c0_i32, %c0_i32_0 : i32, i32
  }
  func.func @transform_2(%arg0: i32) -> (i32, i32) {
    %c0_i32 = arith.constant 0 : i32
    %c0_i32_0 = arith.constant 0 : i32
    %c0_i32_1 = arith.constant 0 : i32
    return %c0_i32, %c0_i32_0 : i32, i32
  }
  func.func @transform_3(%arg0: i32) -> (i32, i32) {
    %c0_i32 = arith.constant 0 : i32
    %c0_i32_0 = arith.constant 0 : i32
    %c0_i32_1 = arith.constant 0 : i32
    return %c0_i32, %c0_i32_0 : i32, i32
  }
  func.func @transform_4(%arg0: i32) -> (i32, i32) {
    %c0_i32 = arith.constant 0 : i32
    %c0_i32_0 = arith.constant 0 : i32
    return %arg0, %c0_i32 : i32, i32
  }
}

</mosaic_0001>

<sc_bundles>
// kernel: gather_offload_async_start.1
scs
__scs_entry_jumppad:
0x0: {  	(pc) =	sbr.rel $0x88, $3  }
0x1: {  	(tag) =	ssettag $0x0;
	lr =	simm.s32 $0x1  }
0x2: {  	[smem:$0x3F97] =	sst lr;
	_ =	strace $0xD0000000  }
0x3: {  	_ = 	snop  }
0x4: {  	_ = 	snop  }
0x5: {  	_ = 	snop  }
0x6: {  	_ = 	snop  }
0x7: {  	_ = 	snop  }
__scs_overlays_trampoline_lowered:
0x8: {  	[smem:$0x3FA6] =	sst s0  }
0x9: {  	[smem:$0x3FA7] =	sst s1  }
0xa: {  	[smem:$0x3FA8] =	sst s2  }
0xb: {  	[smem:$0x3FA9] =	sst s3  }
0xc: {  	[smem:$0x3FAA] =	sst s4  }
0xd: {  	[smem:$0x3FAB] =	sst s5  }
0xe: {  	[smem:$0x3FAC] =	sst s6  }
0xf: {  	[smem:$0x3FAD] =	sst s7  }
0x10: {  	[smem:$0x3FAE] =	sst s8  }
0x11: {  	[smem:$0x3FAF] =	sst s9;
	s0 =	simm.s32 @!p0 $0x0  }
0x12: {  	s1 =	sld [smem:$0x3F95];
	s0 =	simm.s32 @p0 $0x1  }
0x13: {  	[smem:$0x3FB0] =	sst s0;
	s0 =	simm.s32 @!p1 $0x0  }
0x14: {  	s2 =	sld [smem:$0x3F94];
	s0 =	simm.s32 @p1 $0x1  }
0x15: {  	[smem:$0x3FB1] =	sst s0;
	s0 =	simm.s32 @!p2 $0x0  }
0x16: {  	s3 =	sld [smem:$0x3FDB];
	s0 =	simm.s32 @p2 $0x1  }
0x17: {  	s4 =	simm.s32 $0x1BF5;
	[smem:$0x3FB3] =	sst s0  }
0x18: {  	s0 =	sld [smem:$0x3F96];
	_ =	swait.ge [sflag:s4], $0x0  }
0x19: {  	s7 =	sld [smem:$0x3F97]  }
0x1a: {  	s8 =	sadd.s32 $0xFFFFE003, lr  }
0x1b: {  	s9 =	sadd.s32 $0xFFFFFEF7, lr;
	s5 =	simm.s32 $0xFFFFFFFF;
	p2 =	slt.u32 s8, $0xFFFFF086  }
0x1c: {  	p1 =	slt.u32 s9, $0xF7A;
	s5 =	simm.s32 @!p2 $0x0  }
0x1d: {  	s5 =	simm.s32 @p1 $0x1;
	p0 =	seq.s32 s7, s2  }
0x1e: {  	s7 =	smul.u32 @!p0 $0xF7A, s2;
	p2 =	seq.s32 @!p0 s5, $0x0  }
0x1f: {  	s9 =	smul.u32 $0xF7A, s1;
	s8 =	simm.s32 @!p0 $0x1BF5;
	p2 =	por !p2, p0  }
0x20: {  	[sflag:s8] =	ssyncset.s32 @!p0 $0xFFFFF086;
	s6 =	sadd.s32 @!p0 s3, s7;
	s7 =	simm.s32 @!p0 $0x108  }
0x21: {  	s3 =	sadd.s32 s3, s9;
	s6 =	sadd.s32 @!p0 $0x88, s6;
	s7 =	simm.s32 @p2 $0x1082  }
0x22: {  	[simem:s7], [sflag:s8] =	dma.local @!p0 [hbm:s6], $0xF7A  }
0x23: {  	s9 =	sor.u32 $0xD0000000, s2;
	s6 =	simm.s32 $0x108;
	_ =	swait.ge @!p0 [sflag:s8], $0x0  }
0x24: {  	s3 =	sadd.s32 $0x88, s3;
	s6 =	simm.s32 @!p1 $0x1082;
	[sflag:s4] =	ssyncset.s32 $0xFFFFF086  }
0x25: {  	[simem:s6], [sflag:s4] =	dma.local [hbm:s3], $0xF7A  }
0x26: {  	[smem:$0x3F97] =	sst s1;
	(tag) =	ssettag s2;
	_ =	strace s9  }
0x27: {  	s1 =	sld [smem:$0x3FA7]  }
0x28: {  	s2 =	sld [smem:$0x3FA8]  }
0x29: {  	s4 =	sld [smem:$0x3FAA]  }
0x2a: {  	p0 =	seq.s32 s5, $0x0;
	s5 =	sld [smem:$0x3FAB]  }
0x2b: {  	s6 =	sld [smem:$0x3FAC]  }
0x2c: {  	s7 =	sld [smem:$0x3FAD]  }
0x2d: {  	s3 =	simm.s32 $0x108;
	s8 =	sld [smem:$0x3FAE]  }
0x2e: {  	s3 =	simm.s32 @!p0 $0x1082;
	s9 =	sld [smem:$0x3FAF]  }
0x2f: {  	lr =	sadd.s32 s0, s3;
	s0 =	sld [smem:$0x3FA6]  }
0x30: {  	s3 =	sld [smem:$0x3FA9]  }
0x31: {  	[smem:$0x3FB2] =	sst s10  }
0x32: {  	s10 =	sld [smem:$0x3FB0];
	_ =	sdelay $0x3  }
0x33: {  	p0 =	seq.s32 s10, $0x1;
	s10 =	sld [smem:$0x3FB2];
	_ =	sdelay $0x3  }
0x34: {  	[smem:$0x3FB2] =	sst s10  }
0x35: {  	s10 =	sld [smem:$0x3FB1];
	_ =	sdelay $0x3  }
0x36: {  	p1 =	seq.s32 s10, $0x1;
	s10 =	sld [smem:$0x3FB2];
	_ =	sdelay $0x3  }
0x37: {  	[smem:$0x3FB2] =	sst s10  }
0x38: {  	s10 =	sld [smem:$0x3FB3]  }
0x39: {  	_ = 	snop;
	(pc) =	sbr.ind lr, $3  }
0x3a: {  	_ = 	snop  }
0x3b: {  	_ = 	snop  }
0x3c: {  	p2 =	seq.s32 s10, $0x1;
	s10 =	sld [smem:$0x3FB2]  }
0x3d: {  	_ =	shalt  }
0x3e: {  	_ =	shalt  }
0x3f: {  	_ =	shalt  }
0x40: {  	_ =	shalt  }
0x41: {  	_ =	shalt  }
0x42: {  	_ =	shalt  }
0x43: {  	_ =	shalt  }
0x44: {  	_ =	shalt  }
0x45: {  	_ =	shalt  }
0x46: {  	_ =	shalt  }
0x47: {  	_ =	shalt  }
0x48: {  	_ =	shalt  }
0x49: {  	_ =	shalt  }
0x4a: {  	_ =	shalt  }
0x4b: {  	_ =	shalt  }
0x4c: {  	_ =	shalt  }
0x4d: {  	_ =	shalt  }
0x4e: {  	_ =	shalt  }
0x4f: {  	_ =	shalt  }
0x50: {  	_ =	shalt  }
0x51: {  	_ =	shalt  }
0x52: {  	_ =	shalt  }
0x53: {  	_ =	shalt  }
0x54: {  	_ =	shalt  }
0x55: {  	_ =	shalt  }
0x56: {  	_ =	shalt  }
0x57: {  	_ =	shalt  }
0x58: {  	_ =	shalt  }
0x59: {  	_ =	shalt  }
0x5a: {  	_ =	shalt  }
0x5b: {  	_ =	shalt  }
0x5c: {  	_ =	shalt  }
0x5d: {  	_ =	shalt  }
0x5e: {  	_ =	shalt  }
0x5f: {  	_ =	shalt  }
0x60: {  	_ =	shalt  }
0x61: {  	_ =	shalt  }
0x62: {  	_ =	shalt  }
0x63: {  	_ =	shalt  }
0x64: {  	_ =	shalt  }
0x65: {  	_ =	shalt  }
0x66: {  	_ =	shalt  }
0x67: {  	_ =	shalt  }
0x68: {  	_ =	shalt  }
0x69: {  	_ =	shalt  }
0x6a: {  	_ =	shalt  }
0x6b: {  	_ =	shalt  }
0x6c: {  	_ =	shalt  }
0x6d: {  	_ =	shalt  }
0x6e: {  	_ =	shalt  }
0x6f: {  	_ =	shalt  }
0x70: {  	_ =	shalt  }
0x71: {  	_ =	shalt  }
0x72: {  	_ =	shalt  }
0x73: {  	_ =	shalt  }
0x74: {  	_ =	shalt  }
0x75: {  	_ =	shalt  }
0x76: {  	_ =	shalt  }
0x77: {  	_ =	shalt  }
0x78: {  	_ =	shalt  }
0x79: {  	_ =	shalt  }
0x7a: {  	_ =	shalt  }
0x7b: {  	_ =	shalt  }
0x7c: {  	_ =	shalt  }
0x7d: {  	_ =	shalt  }
0x7e: {  	_ =	shalt  }
0x7f: {  	_ =	shalt  }
0x80: {  	_ =	shalt  }
0x81: {  	_ =	shalt  }
0x82: {  	_ =	shalt  }
0x83: {  	_ =	shalt  }
0x84: {  	_ =	shalt  }
0x85: {  	_ =	shalt  }
0x86: {  	_ =	shalt  }
0x87: {  	_ =	shalt  }
.Lfunc_end0:
.L_simem_size_0:
called_computation.2_lowered:
.L_overlay_start_0:
0x88: {  	s2 =	sld [smem:$0x3FD9]  }
0x89: {  	s3 =	sld [smem:$0x3FFE];
	_ =	sdelay $0x1  }
0x8a: {  	s1 =	srdreg.scid  }
0x8b: {  	s0 =	sand.u32 $0x1, s1  }
0x8c: {  	s16 =	sshll.u32 s0, $0xA;
	s2 =	sadd.s32 s3, s2  }
0x8d: {  	s2 =	sadd.s32 s2, s16  }
0x8e: {  	[smem:$0x3FBE] =	sst s2  }
0x8f: {  	_ = 	snop  }
0x90: {  	(tm) =	ssettm $0x1  }
0x91: {  	s17 =	sld [smem:$0x3FFB];
	_ =	sdelay $0x3  }
0x92: {  	_ =	strace s17  }
0x93: {  	s2 =	sld [smem:$0x3FFC];
	_ =	sdelay $0x3  }
0x94: {  	_ =	strace s2  }
0x95: {  	s2 =	sld [smem:$0x3FFD];
	_ =	sdelay $0x3  }
0x96: {  	_ =	strace s2  }
0x97: {  	_ =	strace $0x8FFFFFFF  }
0x98: {  	s18 =	sld [smem:$0x3FDB];
	_ =	sdelay $0x1  }
0x99: {  	s19 =	simm.s32 $_scs_section_size  }
0x9a: {  	s4 =	simm.s32 $_size__tile_overlayer_lowered;
	s5 =	simm.s32 $_tile_overlayer_lowered  }
0x9b: {  	s22 =	simm.s32 $0x1BFF;
	s21 =	sshll.u32 s5, $0x1;
	s2 =	sadd.s32 s19, s18  }
0x9c: {  	s6 =	simm.s32 $0x0;
	s20 =	sshll.u32 s4, $0x1;
	s4 =	sadd.s32 s21, s2  }
0x9d: {  	[timem:s6], [sflag:s22] =	dma.local [hbm:s4], s20  }
0x9e: {  	_ =	swait.ge [sflag:s22], s20  }
0x9f: {  	s3 =	ssub.s32 $0x0, s20;
	[sflag:s22] =	ssyncset.done $0x0  }
0xa0: {  	[sflag:s22] =	ssyncadd.s32 s3;
	_ =	sdelay $0x1  }
0xa1: {  	s23 =	simm.s32 $0x1B8B  }
0xa2: {  	_ =	swait.ge [sflag:s23], $0x1  }
0xa3: {  	[sflag:s23] =	ssyncset.done $0x0  }
0xa4: {  	s25 =	simm.s32 $0x1B8E;
	s24 =	sld [smem:$0x3FFE];
	[sflag:s23] =	ssyncadd.s32 $0xFFFFFFFF  }
0xa5: {  	s26 =	simm.s32 $execute0_lowered;
	[smem:$0x3FD2] =	sst s25  }
0xa6: {  	s4 =	sshll.u32 s26, $0x1;
	_ =	strace $0x8000004C;
	[dreg:$0x1] =	wrdreg $0xFFFFFFFF  }
0xa7: {  	s28 =	simm.s32 $_size_execute0_lowered;
	s2 =	sadd.s32 s2, s4;
	[dreg:$0x0] =	wrdreg $0x0  }
0xa8: {  	s4 =	sshll.u32 s28, $0x1;
	[dreg:$0x2] =	wrdreg s2  }
0xa9: {  	[dreg:$0x3] =	wrdreg s4  }
0xaa: {  	[dreg:$0x4] =	wrdreg $0xC0  }
0xab: {  	_ =	task [dreg:s6], $0x5FFFF  }
0xac: {  	[dreg:$0x1] =	wrdreg $0xFFFFFFFF  }
0xad: {  	[dreg:$0x0] =	wrdreg $0x60  }
0xae: {  	[dreg:$0x2] =	wrdreg s24  }
0xaf: {  	[dreg:$0x3] =	wrdreg $0x9  }
0xb0: {  	_ =	task.clear_ibuf [dreg:s6], $0x4FFFF;
	_ =	strace $0x9000004C  }
0xb1: {  	s29 =	simm.s32 $0x9;
	_ =	strace $0x8000004E  }
0xb2: {  	_ =	swait.ge [sflag:s29], $0x1  }
0xb3: {  	[sflag:s29] =	ssyncadd.s32 $0xFFFFFFFF  }
0xb4: {  	_ =	strace $0x9000004E  }
0xb5: {  	_ =	sfence  }
0xb6: {  	s30 =	sld [smem:$0x0];
	_ =	sdelay $0x2  }
0xb7: {  	s31 =	sshll.u32 s1, $0xD;
	s1 =	sshrl.u32 s1, $0x2  }
0xb8: {  	s3 =	sand.u32 $0x4000, s31;
	s1 =	sadd.s32 s1, s30  }
0xb9: {  	s0 =	sor.u32 s3, s0;
	s1 =	sshll.u32 s1, $0x11  }
0xba: {  	s0 =	sor.u32 s1, s0  }
0xbb: {  	s0 =	sadd.s32 $0x8F2B, s0  }
0xbc: {  	[sflag:s0] =	ssyncadd.remote.s32 $0x1  }
0xbd: {  	_ =	sfence.sel $0xFFFF  }
0xbe: {  	[dreg:$0x0] =	wrdreg $0xFFFFFFFF;
	(pc) =	sbr.abs _section_cstart, $3  }
0xbf: {  	[dreg:$0x1] =	wrdreg $0xFFFFFFFF  }
0xc0: {  	_ =	task.clear_ibuf [dreg:s6], $0x2FFFF;
	_ =	strace $0x9FFFFFFF  }
0xc1: {  	(tm) =	ssettm $0x7FFFFFFF  }
tec
execute0_lowered:
.L_overlay_start_1:
0x0: {  	(tag) =	ssettag $0x1  }
0x1: {  	s8 =	rddreg [dreg:$0x0]  }
0x2: {  	s0 =	rddreg [dreg:$0x1];
	s1 =	srdreg.scid;
	_ =	strace $0x8000004D  }
0x3: {  	s4 =	simm.s32 $0x1;
	s6 =	simm.s32 $0x2;
	s10 =	simm.s32 $0x3  }
0x4: {  	p3 =	por $0x0, $0x0;
	s11 =	simm.s32 $0x80;
	s3 =	sshll.u32 s1, $0x4  }
.Ltmp0:
0x5: {  	s1 =	stileid.u32;
	s5 =	sand.u32 $0x10, s3;
	(pc) =	sbr.rel .LBB2_1-.Ltmp0, $4  }
0x6: {  	s2 =	sadd.s32 $0x1F5800, s8;
	[sflag:s4] =	ssyncpa.u1 $0x0;
	s5 =	sor.u32 s1, s5  }
0x7: {  	s7 =	sadd.s32 $0x37C200, s8;
	[sflag:s6] =	ssyncpa.u1 $0x0;
	s5 =	smul.u32 $0x2850, s5  }
0x8: {  	s3 =	sadd.s32 $0x47200, s8;
	s8 =	sadd.s32 $0x51400, s8;
	[sflag:s10] =	ssyncpa.u1 $0x0  }
0x9: {  	v0 =	vlaneseq.u32;
	s10 =	simm.s32 $0x0;
	s9 =	sadd.s32 $0x2850, s5;
	s12 =	smov.u32 s5  }
.LBB2_6:
0xa: {  	s15 =	sadd.s32 s17, s15  }
0xb: {  	v2 =	vld.msk [tilespmem:s15+$0x0 ss:$0x1], $0x1;
	_ =	sdelay $0x2  }
0xc: {  	(v2sf) =	vpush v1, $0x1  }
0xd: {  	(v2sf) =	vpush v1, $0x0  }
0xe: {  	(v2sf) =	vpush v2, $0x0;
	_ =	sdelay $0xc  }
0xf: {  	p0 =	seq.s32 s19, $0xBC;
	s18 =	simm.s32 $0x1;
	s15 =	spop (v2sf)  }
0x10: {  	s18 =	simm.s32 @!p0 $0x2;
	s15 =	simm.s32 @p1 $0xFFFFFFFF;
	s23 =	spop (v2sf)  }
0x11: {  	p0 =	sne.s32 s23, s15;
	s15 =	simm.s32 $0x1;
	s20 =	spop (v2sf)  }
0x12: {  	v1 =	vmov s18;
	s15 =	simm.s32 @!p0 $0x0;
	s24 =	sshrl.u32 s20, $0x3  }
0x13: {  	vm0 =	vgt.u32 v1, v0;
	s15 =	sadd.s32 s15, s16;
	s26 =	sshll.u32 s20, $0x7;
	s25 =	smul.u32 $0x2800, s24  }
0x14: {  	s15 =	smul.u32 $0x1400, s15;
	s28 =	sand.u32 $0x380, s26  }
0x15: {  	s16 =	sor.u32 s28, s25  }
0x16: {  	s15 =	sshra.s32 s15, $0x2;
	s16 =	sshrl.u32 s16, $0x3  }
0x17: {  	s13 =	sadd.s32 s17, s13;
	s14 =	sadd.s32 s15, s14;
	s29 =	sadd.s32 s7, s16  }
0x18: {  	[hbm:s29] =	stream.strided.scatter [tilespmem:s14], [sflag:$0x3], $0x500, s11, s11, $0x38;
	[tilespmem:$0x1E0C0] =	vst v63  }
0x19: {  	v1 =	vld.msk [tilespmem:s13+$0x0 ss:$0x1], vm0;
	_ =	sdelay $0x4  }
0x1a: {  	(v2sf) =	vpush v1, $0x1  }
0x1b: {  	(v2sf) =	vpush v1, $0x0;
	_ =	sdelay $0xb  }
0x1c: {  	s13 =	sld [smem:$0x7FB];
	_ =	sdelay $0x1  }
0x1d: {  	s30 =	spop (v2sf)  }
0x1e: {  	p3 =	seq.s32 s13, $0x1;
	s31 =	spop (v2sf)  }
.LBB2_7:
0x1f: {  	p0 =	slt.u32 s10, $0x2;
	s10 =	sadd.s32 $0x1, s10  }
0x20: {  	p2 =	sne.s32 s10, $0xD9  }
.Ltmp1:
0x21: {  	_ = 	snop;
	(pc) =	sbr.rel @!p2 .LBB2_8-.Ltmp1, $4  }
0x22: {  	s13 =	simm.s32 @!p0 $0x3  }
0x23: {  	s14 =	sadd.s32 $0x30, s12;
	_ =	swait.ge @!p0 [sflag:s13], $0xF000  }
0x24: {  	s12 =	smov.u32 s5;
	p1 =	slt.s32 s14, s9;
	[sflag:s13] =	ssyncset.done @!p0 $0x0  }
0x25: {  	p3 =	por !p3, !p3;
	s12 =	smov.u32 @p1 s14;
	[sflag:s13] =	ssyncadd.s32 @!p0 $0xFFFF1000  }
.LBB2_1:
0x26: {  	p0 =	sgt.u32 s10, $0xD6  }
0x27: {  	s13 =	sxor.u32 @!p0 $0xFFFFFFFF, s10  }
0x28: {  	s13 =	sand.u32 @!p0 $0x1, s13  }
0x29: {  	s14 =	sshrl.u32 @!p0 s12, $0x3;
	s13 =	smul.u32 @!p0 $0x30, s13  }
0x2a: {  	s16 =	sand.u32 @!p0 $0x7, s12;
	s15 =	sadd.s32 @!p0 s3, s14  }
0x2b: {  	[tilespmem:s13], [sflag:$0x2] =	stream.linear.gather @!p0 [hbm4b:s15+s16], $0x30, $0x38;
	[tilespmem:$0x1E0C0] =	vst v63  }
0x2c: {  	s31 =	sadd.s32 $0xFFFFFFFF, s10;
	s14 =	sadd.s32 @!p0 s8, s14;
	s13 =	sadd.s32 @!p0 $0x60, s13  }
0x2d: {  	[tilespmem:s13], [sflag:$0x2] =	stream.linear.gather @!p0 [hbm4b:s14+s16], $0x30, $0x38;
	[tilespmem:$0x1E0C0] =	vst v63  }
0x2e: {  	p0 =	sgt.u32 s31, $0xD6  }
.Ltmp2:
0x2f: {  	_ = 	snop;
	(pc) =	sbr.rel @p0 .LBB2_7-.Ltmp2, $1  }
0x30: {  	_ =	sdelay $0x3  }
0x31: {  	p2 =	por $0x0, $0x0;
	s13 =	simm.s32 $0x1  }
0x32: {  	s13 =	simm.s32 @!p2 $0x2  }
0x33: {  	v1 =	vmov s13  }
0x34: {  	s14 =	simm.s32 @!p3 $0x0;
	s13 =	simm.s32 $0x1;
	vm0 =	vgt.u32 v1, v0  }
0x35: {  	s14 =	simm.s32 @p3 $0x1;
	s13 =	simm.s32 @!p3 $0x0  }
0x36: {  	[smem:$0x7FB] =	sst s14;
	s13 =	smul.u32 $0xC0, s13  }
0x37: {  	_ =	swait.ge [sflag:s6], $0x60  }
0x38: {  	[sflag:s6] =	ssyncset.done $0x0;
	s13 =	sshrl.u32 s13, $0x2  }
0x39: {  	[sflag:s6] =	ssyncadd.s32 $0xFFFFFFA0;
	s25 =	sadd.s32 $0x0, s13  }
0x3a: {  	v1 =	vld.msk [tilespmem:s25+$0x0 ss:$0x1], vm0;
	_ =	sdelay $0x4  }
0x3b: {  	(v2sf) =	vpush v1, $0x1  }
0x3c: {  	(v2sf) =	vpush v1, $0x0;
	_ =	sdelay $0x1  }
0x3d: {  	p0 =	por $0x0, $0x0;
	s14 =	simm.s32 $0x1  }
0x3e: {  	s14 =	simm.s32 @!p0 $0x2  }
0x3f: {  	v2 =	vmov s14  }
0x40: {  	vm12 =	vgt.u32 v2, v0;
	_ =	sdelay $0x3  }
0x41: {  	p1 =	por $0x0, $0x0;
	s15 =	simm.s32 $0x1  }
0x42: {  	s15 =	simm.s32 @!p1 $0x2;
	s26 =	sadd.s32 $0x1, s13  }
0x43: {  	v3 =	vmov s15;
	v2 =	vld.msk [tilespmem:s26+$0x0 ss:$0x1], vm12  }
0x44: {  	p2 =	por p2, p2;
	vm13 =	vgt.u32 v3, v0  }
0x45: {  	p2 =	por p2, p2  }
0x46: {  	p2 =	por p2, p2;
	s14 =	spop (v2sf)  }
0x47: {  	s14 =	simm.s32 @p2 $0xFFFFFFFF;
	s16 =	spop (v2sf)  }
0x48: {  	(v2sf) =	vpush v2, $0x1;
	p2 =	seq.s32 s16, s14  }
0x49: {  	s28 =	sadd.s32 $0x2, s13;
	(v2sf) =	vpush v2, $0x0;
	vm0 =	vgt.s32 @!p2 v1, $0x0  }
0x4a: {  	v3 =	vld.msk [tilespmem:s28+$0x0 ss:$0x1], vm13;
	v1 =	vnsel @!p2 vm0, $0x0, v1  }
0x4b: {  	v1 =	vmin.u32 @!p2 v1, $0x270F  }
0x4c: {  	(v2sf) =	vpush @!p2 v1, $0x0  }
0x4d: {  	s29 =	sand.u32 $0x1, s10;
	s20 =	simm.s32 $0x1  }
0x4e: {  	s24 =	simm.s32 $0x1;
	p4 =	por p1, p1;
	p1 =	por $0x0, $0x0  }
0x4f: {  	s22 =	simm.s32 $0x18;
	s20 =	simm.s32 @!p1 $0x2;
	p4 =	por p4, p4;
	(v2sf) =	vpush v3, $0x1  }
0x50: {  	p5 =	por p1, p1;
	p1 =	por $0x0, $0x0;
	p0 =	por p0, p0;
	(v2sf) =	vpush v3, $0x0  }
0x51: {  	s24 =	simm.s32 @!p1 $0x2;
	p1 =	por p4, p4;
	p0 =	por p0, p0  }
0x52: {  	p5 =	por p5, p5;
	p4 =	por $0x0, $0x0;
	p3 =	por p0, p0  }
0x53: {  	s15 =	sadd.s32 $0x60, s13;
	s30 =	sadd.s32 $0x3, s13;
	s31 =	sadd.s32 $0x4, s13  }
0x54: {  	s28 =	simm.s32 $0x1;
	s14 =	smul.u32 $0x3C000, s29;
	s16 =	simm.s32 $0x0  }
0x55: {  	s17 =	smul.u32 @!p2 $0x1400, s16;
	s18 =	simm.s32 @!p2 $0x1;
	s19 =	simm.s32 @!p2 $0x80;
	v1 =	vmov s20  }
0x56: {  	p6 =	por p2, p2;
	s14 =	sshrl.u32 s14, $0x2;
	s18 =	smov.u32 @p2 s16;
	vm14 =	vgt.u32 v1, v0  }
0x57: {  	s16 =	spop (v2sf);
	s14 =	sor.u32 $0xC0, s14;
	s17 =	sshra.s32 @!p2 s17, $0x2  }
0x58: {  	s16 =	simm.s32 @p3 $0xFFFFFFFF;
	s21 =	spop (v2sf);
	p3 =	por p4, p4  }
0x59: {  	v4 =	vmov s24;
	p4 =	por p6, p6;
	p6 =	por $0x0, $0x0;
	s24 =	simm.s32 @!p3 $0x0  }
0x5a: {  	s20 =	simm.s32 $0x14;
	p0 =	seq.s32 s21, s16;
	s24 =	simm.s32 @p3 $0x1  }
0x5b: {  	[smem:$0x7FC] =	sst s24;
	s24 =	spop @!p2 (v2sf);
	p2 =	por p0, p0  }
0x5c: {  	s28 =	simm.s32 @!p6 $0x2;
	s16 =	smul.u32 @!p0 $0x1400, s18;
	vm1 =	vgt.s32 @!p0 v2, $0x0;
	v1 =	vld.msk [tilespmem:s30+$0x0 ss:$0x1], vm14;
	s21 =	simm.s32 @!p2 $0x0  }
0x5d: {  	vm15 =	vgt.u32 v4, v0;
	s23 =	sadd.s32 @!p0 $0x1, s18;
	v2 =	vnsel @!p0 vm1, $0x0, v2;
	s25 =	sshrl.u32 @!p4 s24, $0x3;
	s21 =	simm.s32 @p2 $0x1  }
0x5e: {  	v2 =	vmin.u32 @!p0 v2, $0x270F;
	s24 =	sshll.u32 @!p4 s24, $0x7;
	[smem:$0x7FD] =	sst s21;
	s21 =	spop (v2sf)  }
0x5f: {  	(v2sf) =	vpush @!p0 v2, $0x0;
	s25 =	smul.u32 @!p4 $0x2800, s25;
	s21 =	simm.s32 @p1 $0xFFFFFFFF;
	s26 =	spop (v2sf)  }
0x60: {  	s23 =	smov.u32 @p0 s18;
	s24 =	sand.u32 @!p4 $0x380, s24;
	p3 =	seq.s32 s26, s21  }
0x61: {  	s18 =	sshra.s32 @!p0 s16, $0x2;
	(v2sf) =	vpush v1, $0x1;
	s25 =	sor.u32 @!p4 s24, s25;
	vm1 =	vgt.s32 @!p3 v3, $0x0;
	s26 =	smul.u32 @!p3 $0x1400, s23  }
0x62: {  	s16 =	simm.s32 @!p0 $0x80;
	(v2sf) =	vpush v1, $0x0;
	s25 =	sshrl.u32 @!p4 s25, $0x3;
	s21 =	sadd.s32 @!p3 $0x1, s23;
	v4 =	vnsel @!p3 vm1, $0x0, v3  }
0x63: {  	v2 =	vld.msk [tilespmem:s31+$0x0 ss:$0x1], vm15;
	s21 =	smov.u32 @p3 s23;
	v3 =	vmov s28;
	s23 =	simm.s32 @!p3 $0x80;
	v4 =	vmin.u32 @!p3 v4, $0x270F;
	s24 =	sshra.s32 @!p3 s26, $0x2  }
.LBB2_3:
0x64: {  	s26 =	smov.u32 s21;
	p2 =	por p0, p0  }
0x65: {  	p0 =	por p3, p3;
	s21 =	sadd.s32 @!p4 s2, s25;
	s25 =	sadd.s32 @!p4 s17, s14  }
0x66: {  	s28 =	smov.u32 s22;
	s22 =	sadd.s32 $0x4, s22;
	s31 =	sld [smem:$0x7FC]  }
0x67: {  	s17 =	smov.u32 s18;
	s18 =	smov.u32 s24;
	s29 =	sld [smem:$0x7FD]  }
0x68: {  	[tilespmem:s25], [sflag:$0x1] =	stream.strided.gather @!p4 [hbm:s21], $0x500, s19, s19, $0x38;
	[tilespmem:$0x1E0C0] =	vst v63  }
0x69: {  	(v2sf) =	vpush @!p3 v4, $0x0;
	p3 =	por p5, p5;
	s30 =	sshra.s32 s20, $0x2;
	s19 =	smov.u32 s16  }
0x6a: {  	s16 =	smov.u32 s23;
	s20 =	smov.u32 s28;
	p1 =	seq.s32 s31, $0x1  }
0x6b: {  	p5 =	por p1, p1;
	p1 =	por p6, p6;
	p6 =	seq.s32 s29, $0x1  }
0x6c: {  	s28 =	simm.s32 $0x1;
	s24 =	simm.s32 @!p1 $0x0;
	p4 =	por p6, p6  }
0x6d: {  	vm0 =	vgt.u32 v3, v0;
	p6 =	por p0, p0;
	s24 =	simm.s32 @p1 $0x1;
	p1 =	sne.s32 s22, $0xC0  }
0x6e: {  	s21 =	simm.s32 @!p6 $0x0;
	s23 =	spop @!p2 (v2sf);
	[smem:$0x7FC] =	sst s24  }
0x6f: {  	s21 =	simm.s32 @p6 $0x1;
	s25 =	sshrl.u32 @!p4 s23, $0x3;
	s23 =	sshll.u32 @!p4 s23, $0x7  }
0x70: {  	p6 =	seq.s32 s20, $0xBC;
	[smem:$0x7FD] =	sst s21;
	s24 =	spop (v2sf)  }
.Ltmp3:
0x71: {  	s24 =	simm.s32 @p3 $0xFFFFFFFF;
	s31 =	spop (v2sf);
	(pc) =	sbr.rel @p1 .LBB2_3-.Ltmp3, $4  }
0x72: {  	s21 =	sadd.s32 s30, s13;
	p3 =	seq.s32 s31, s24;
	s24 =	smul.u32 @!p4 $0x2800, s25  }
0x73: {  	(v2sf) =	vpush v2, $0x1;
	v3 =	vmov v2;
	s23 =	sand.u32 @!p4 $0x380, s23;
	v2 =	vld.msk [tilespmem:s21+$0x0 ss:$0x1], vm0;
	vm0 =	vgt.s32 @!p3 v1, $0x0;
	s25 =	smul.u32 @!p3 $0x1400, s26;
	s21 =	sadd.s32 @!p3 $0x1, s26  }
0x74: {  	s28 =	simm.s32 @!p6 $0x2;
	v4 =	vnsel @!p3 vm0, $0x0, v1;
	s21 =	smov.u32 @p3 s26;
	s26 =	sor.u32 @!p4 s23, s24  }
0x75: {  	(v2sf) =	vpush v3, $0x0;
	v1 =	vmovc v3;
	v3 =	vmov s28;
	s23 =	simm.s32 @!p3 $0x80;
	v4 =	vmin.u32 @!p3 v4, $0x270F;
	s24 =	sshra.s32 @!p3 s25, $0x2;
	s25 =	sshrl.u32 @!p4 s26, $0x3  }
0x76: {  	_ =	sdelay $0x4  }
0x77: {  	vm0 =	vgt.u32 v3, v0;
	_ =	sdelay $0x1  }
0x78: {  	(v2sf) =	vpush @!p3 v4, $0x0  }
0x79: {  	(v2sf) =	vpush v2, $0x1  }
0x7a: {  	s20 =	sshra.s32 s20, $0x2;
	s22 =	spop @!p0 (v2sf);
	(v2sf) =	vpush v2, $0x0  }
0x7b: {  	s20 =	sadd.s32 s20, s13  }
0x7c: {  	s17 =	sadd.s32 @!p4 s17, s14;
	v3 =	vld.msk [tilespmem:s20+$0x0 ss:$0x1], vm0;
	s20 =	sadd.s32 @!p4 s2, s25  }
0x7d: {  	[tilespmem:s17], [sflag:$0x1] =	stream.strided.gather @!p4 [hbm:s20], $0x500, s19, s19, $0x38;
	[tilespmem:$0x1E0C0] =	vst v63  }
0x7e: {  	p0 =	por p5, p5;
	s26 =	spop (v2sf)  }
0x7f: {  	s26 =	simm.s32 @p0 $0xFFFFFFFF;
	s28 =	spop (v2sf)  }
0x80: {  	s17 =	sld [smem:$0x7FD];
	p0 =	seq.s32 s28, s26  }
0x81: {  	vm0 =	vgt.s32 @!p0 v1, $0x0  }
0x82: {  	s30 =	sld [smem:$0x7FC];
	v1 =	vnsel @!p0 vm0, $0x0, v1  }
0x83: {  	p1 =	seq.s32 s17, $0x1;
	v1 =	vmin.u32 @!p0 v1, $0x270F  }
0x84: {  	p2 =	por p1, p1;
	(v2sf) =	vpush @!p0 v1, $0x0  }
0x85: {  	p4 =	por p3, p3;
	p5 =	seq.s32 s30, $0x1;
	s17 =	sshrl.u32 @!p2 s22, $0x3;
	(v2sf) =	vpush v3, $0x1  }
0x86: {  	p1 =	por p5, p5;
	s19 =	sshll.u32 @!p2 s22, $0x7;
	s17 =	smul.u32 @!p2 $0x2800, s17;
	(v2sf) =	vpush v3, $0x0  }
0x87: {  	p1 =	por p1, p1;
	s19 =	sand.u32 @!p2 $0x380, s19;
	s20 =	spop @!p3 (v2sf)  }
0x88: {  	s18 =	sadd.s32 @!p2 s18, s14;
	s17 =	sor.u32 @!p2 s19, s17;
	s22 =	spop (v2sf)  }
0x89: {  	s17 =	sshrl.u32 @!p2 s17, $0x3;
	s22 =	simm.s32 @p1 $0xFFFFFFFF;
	s31 =	spop (v2sf)  }
0x8a: {  	p3 =	por p4, p4;
	s17 =	sadd.s32 @!p2 s2, s17;
	p1 =	seq.s32 s31, s22  }
0x8b: {  	[tilespmem:s18], [sflag:$0x1] =	stream.strided.gather @!p2 [hbm:s17], $0x500, s16, s16, $0x38;
	[tilespmem:$0x1E0C0] =	vst v63  }
0x8c: {  	s16 =	sshrl.u32 @!p3 s20, $0x3;
	vm0 =	vgt.s32 @!p1 v2, $0x0  }
0x8d: {  	s17 =	sshll.u32 @!p3 s20, $0x7;
	s16 =	smul.u32 @!p3 $0x2800, s16;
	v1 =	vnsel @!p1 vm0, $0x0, v2  }
0x8e: {  	s17 =	sand.u32 @!p3 $0x380, s17;
	v1 =	vmin.u32 @!p1 v1, $0x270F  }
0x8f: {  	s16 =	sor.u32 @!p3 s17, s16;
	(v2sf) =	vpush @!p1 v1, $0x0  }
0x90: {  	s16 =	sshrl.u32 @!p3 s16, $0x3  }
0x91: {  	p5 =	por p6, p6;
	s17 =	sadd.s32 @!p3 s24, s14;
	s16 =	sadd.s32 @!p3 s2, s16  }
0x92: {  	[tilespmem:s17], [sflag:$0x1] =	stream.strided.gather @!p3 [hbm:s16], $0x500, s23, s23, $0x38;
	[tilespmem:$0x1E0C0] =	vst v63  }
0x93: {  	p2 =	por p5, p5;
	s18 =	spop @!p0 (v2sf)  }
0x94: {  	p2 =	por p2, p2;
	s19 =	spop (v2sf)  }
0x95: {  	p6 =	por p0, p0;
	s19 =	simm.s32 @p2 $0xFFFFFFFF;
	s20 =	spop (v2sf)  }
0x96: {  	p3 =	por p6, p6;
	p2 =	seq.s32 s20, s19  }
0x97: {  	s16 =	sshrl.u32 @!p3 s18, $0x3;
	vm0 =	vgt.s32 @!p2 v3, $0x0  }
0x98: {  	s17 =	sshll.u32 @!p3 s18, $0x7;
	s16 =	smul.u32 @!p3 $0x2800, s16;
	v1 =	vnsel @!p2 vm0, $0x0, v3  }
0x99: {  	s18 =	smul.u32 @!p0 $0x1400, s21;
	s17 =	sand.u32 @!p3 $0x380, s17;
	v1 =	vmin.u32 @!p2 v1, $0x270F  }
0x9a: {  	s16 =	sor.u32 @!p3 s17, s16;
	(v2sf) =	vpush @!p2 v1, $0x0  }
0x9b: {  	p5 =	por p1, p1;
	s17 =	sshra.s32 @!p0 s18, $0x2;
	s16 =	sshrl.u32 @!p3 s16, $0x3  }
0x9c: {  	s18 =	simm.s32 @!p0 $0x80;
	s17 =	sadd.s32 @!p3 s17, s14;
	s16 =	sadd.s32 @!p3 s2, s16  }
0x9d: {  	[tilespmem:s17], [sflag:$0x1] =	stream.strided.gather @!p3 [hbm:s16], $0x500, s18, s18, $0x38;
	[tilespmem:$0x1E0C0] =	vst v63  }
0x9e: {  	p3 =	por p5, p5;
	s16 =	spop @!p1 (v2sf)  }
0x9f: {  	s17 =	sadd.s32 @!p0 $0x1, s21;
	s18 =	sshrl.u32 @!p3 s16, $0x3  }
0xa0: {  	s17 =	smov.u32 @p0 s21;
	s16 =	sshll.u32 @!p3 s16, $0x7;
	s18 =	smul.u32 @!p3 $0x2800, s18  }
0xa1: {  	s19 =	smul.u32 @!p1 $0x1400, s17;
	s16 =	sand.u32 @!p3 $0x380, s16  }
0xa2: {  	s16 =	sor.u32 @!p3 s16, s18  }
0xa3: {  	s18 =	sshra.s32 @!p1 s19, $0x2;
	s16 =	sshrl.u32 @!p3 s16, $0x3  }
0xa4: {  	s19 =	simm.s32 @!p1 $0x80;
	s18 =	sadd.s32 @!p3 s18, s14;
	s16 =	sadd.s32 @!p3 s2, s16  }
0xa5: {  	[tilespmem:s18], [sflag:$0x1] =	stream.strided.gather @!p3 [hbm:s16], $0x500, s19, s19, $0x38;
	[tilespmem:$0x1E0C0] =	vst v63  }
0xa6: {  	s18 =	sadd.s32 @!p1 $0x1, s17  }
0xa7: {  	s18 =	smov.u32 @p1 s17  }
0xa8: {  	p6 =	por p2, p2;
	s20 =	sadd.s32 @!p2 $0x1, s18  }
0xa9: {  	p0 =	por p6, p6;
	s20 =	smov.u32 @p2 s18;
	s16 =	spop @!p2 (v2sf)  }
0xaa: {  	s22 =	smul.u32 $0x1400, s20;
	s19 =	sshrl.u32 @!p0 s16, $0x3  }
0xab: {  	s16 =	sshll.u32 @!p0 s16, $0x7;
	s17 =	smul.u32 @!p0 $0x2800, s19  }
0xac: {  	s19 =	smul.u32 @!p2 $0x1400, s18;
	s16 =	sand.u32 @!p0 $0x380, s16  }
0xad: {  	s16 =	sor.u32 @!p0 s16, s17  }
0xae: {  	s23 =	sshrl.u32 s22, $0x2;
	s17 =	sshra.s32 @!p2 s19, $0x2;
	s16 =	sshrl.u32 @!p0 s16, $0x3  }
0xaf: {  	s18 =	simm.s32 @!p2 $0x80;
	s17 =	sadd.s32 @!p0 s17, s14;
	s16 =	sadd.s32 @!p0 s2, s16  }
0xb0: {  	[tilespmem:s17], [sflag:$0x1] =	stream.strided.gather @!p0 [hbm:s16], $0x500, s18, s18, $0x38;
	[tilespmem:$0x1E0C0] =	vst v63  }
0xb1: {  	_ =	swait.ge [sflag:s4], s23  }
0xb2: {  	s16 =	ssub.s32 $0x0, s23;
	[sflag:s4] =	ssyncset.done $0x0  }
0xb3: {  	s24 =	sadd.s32 $0x0, s15;
	[sflag:s4] =	ssyncadd.s32 s16  }
0xb4: {  	v1 =	vld.msk [tilespmem:s24+$0x0 ss:$0x1], $0x1;
	_ =	sdelay $0x4  }
0xb5: {  	(v2sf) =	vpush v1, $0x0;
	_ =	sdelay $0xd  }
0xb6: {  	p1 =	por $0x0, $0x0;
	s17 =	simm.s32 $0x1  }
0xb7: {  	s17 =	simm.s32 @!p1 $0x2;
	s25 =	spop (v2sf)  }
0xb8: {  	v1 =	vmov s17;
	s26 =	sshrl.u32 s25, $0x3  }
0xb9: {  	s16 =	simm.s32 $0x0;
	vm15 =	vgt.u32 v1, v0;
	s18 =	sshll.u32 s25, $0x7;
	s28 =	smul.u32 $0x2800, s26  }
0xba: {  	s29 =	smul.u32 $0x1400, s16;
	s18 =	sand.u32 $0x380, s18  }
0xbb: {  	s17 =	sor.u32 s18, s28  }
0xbc: {  	s30 =	sshra.s32 s29, $0x2;
	s17 =	sshrl.u32 s17, $0x3  }
0xbd: {  	s31 =	sadd.s32 $0x0, s13;
	s18 =	sadd.s32 s30, s14;
	s17 =	sadd.s32 s7, s17  }
0xbe: {  	[hbm:s17] =	stream.strided.scatter [tilespmem:s18], [sflag:$0x3], $0x500, s11, s11, $0x38;
	[tilespmem:$0x1E0C0] =	vst v63  }
0xbf: {  	s19 =	simm.s32 $0x4;
	s17 =	simm.s32 $0x1;
	s18 =	simm.s32 $0x8;
	v1 =	vld.msk [tilespmem:s31+$0x0 ss:$0x1], vm15  }
.LBB2_5:
0xc0: {  	p0 =	sne.s32 s18, $0xBC;
	s20 =	sadd.s32 s17, s15  }
0xc1: {  	v2 =	vld.msk [tilespmem:s20+$0x0 ss:$0x1], $0x1;
	_ =	sdelay $0x3  }
0xc2: {  	(v2sf) =	vpush v1, $0x1  }
0xc3: {  	(v2sf) =	vpush v1, $0x0  }
0xc4: {  	(v2sf) =	vpush v2, $0x0;
	_ =	sdelay $0xc  }
0xc5: {  	s20 =	spop (v2sf)  }
0xc6: {  	s21 =	simm.s32 $0x1;
	s20 =	simm.s32 @p1 $0xFFFFFFFF;
	p1 =	seq.s32 s19, $0xBC  }
0xc7: {  	s19 =	spop (v2sf);
	s21 =	simm.s32 @!p1 $0x2  }
0xc8: {  	s22 =	spop (v2sf);
	p2 =	sne.s32 s19, s20;
	v1 =	vmov s21;
	s21 =	simm.s32 $0x1  }
0xc9: {  	s19 =	smov.u32 s18;
	s20 =	sshrl.u32 s22, $0x3;
	s21 =	simm.s32 @!p2 $0x0  }
0xca: {  	s22 =	sshll.u32 s22, $0x7;
	s20 =	smul.u32 $0x2800, s20;
	vm0 =	vgt.u32 v1, v0;
	s16 =	sadd.s32 s21, s16  }
0xcb: {  	s21 =	sand.u32 $0x380, s22;
	s22 =	smul.u32 $0x1400, s16  }
.Ltmp4:
0xcc: {  	s20 =	sor.u32 s21, s20;
	(pc) =	sbr.rel @p0 .LBB2_5-.Ltmp4, $4  }
0xcd: {  	s20 =	sshrl.u32 s20, $0x3;
	s21 =	sshra.s32 s22, $0x2  }
0xce: {  	s20 =	sadd.s32 s7, s20;
	s22 =	sadd.s32 s17, s13;
	s21 =	sadd.s32 s21, s14  }
0xcf: {  	[hbm:s20] =	stream.strided.scatter [tilespmem:s21], [sflag:$0x3], $0x500, s11, s11, $0x38;
	[tilespmem:$0x1E0C0] =	vst v63  }
0xd0: {  	s18 =	sadd.s32 $0x4, s18;
	s17 =	sshra.s32 s19, $0x2;
	v1 =	vld.msk [tilespmem:s22+$0x0 ss:$0x1], vm0  }
.Ltmp5:
0xd1: {  	_ = 	snop;
	(pc) =	sbr.rel .LBB2_6-.Ltmp5, $1  }
0xd2: {  	_ =	sdelay $0x3  }
.LBB2_8:
0xd3: {  	_ =	sfence.sel $0x180000  }
0xd4: {  	s2 =	simm.s32 $0x2;
	[bflag:$0x0] =	sbarrier.arrive $0xFFFF  }
0xd5: {  	s30 =	simm.s32 $0x3;
	[sflag:s2] =	ssyncpa.u1 $0x1  }
0xd6: {  	s31 =	simm.s32 $0x1;
	[sflag:s30] =	ssyncpa.u1 $0x1  }
0xd7: {  	[sflag:s31] =	ssyncpa.u1 $0x1  }
0xd8: {  	p0 =	sne.s32 s1, $0x0;
	_ =	strace $0x9000004D  }
0xd9: {  	s0 =	sadd.s32 @!p0 $0x100000, s0;
	[bflag:$0x2] =	sbarrier.arrive $0xFFFF  }
0xda: {  	[sflag:s0] =	ssyncadd.tile.s32 @!p0 $0x1;
	_ =	shalt  }
.Lfunc_end2:
_tile_overlayer_lowered:
.L_overlay_start_2:
0xdb: {  	(tag) =	ssettag $0x2  }
0xdc: {  	s0 =	rddreg [dreg:$0x0];
	s2 =	stileid.u32  }
0xdd: {  	s1 =	rddreg [dreg:$0x1];
	p0 =	sne.s32 s2, $0x0  }
0xde: {  	s3 =	rddreg [dreg:$0x2];
	[bflag:$0x3] =	sbarrier.arrive $0xFFFF;
	s2 =	simm.s32 @!p0 $0x1C01  }
0xdf: {  	[timem:s3], [sflag:s2] =	dma.local @!p0 [hbm:s0], s1  }
0xe0: {  	s0 =	simm.s32 @!p0 $0x1  }
0xe1: {  	_ =	swait.ge @!p0 [sflag:s0], s1  }
0xe2: {  	s1 =	ssub.s32 @!p0 $0x0, s1;
	[sflag:s0] =	ssyncset.done @!p0 $0x0  }
0xe3: {  	[sflag:s0] =	ssyncadd.s32 @!p0 s1  }
0xe4: {  	[bflag:$0x3] =	sbarrier.arrive $0xFFFF  }
0xe5: {  	_ =	shalt  }

// kernel: gather_offload_async_start
scs
__scs_entry_jumppad:
0x0: {  	(pc) =	sbr.rel $0x88, $3  }
0x1: {  	(tag) =	ssettag $0x0;
	lr =	simm.s32 $0x1  }
0x2: {  	[smem:$0x3F97] =	sst lr;
	_ =	strace $0xD0000000  }
0x3: {  	_ = 	snop  }
0x4: {  	_ = 	snop  }
0x5: {  	_ = 	snop  }
0x6: {  	_ = 	snop  }
0x7: {  	_ = 	snop  }
__scs_overlays_trampoline_lowered:
0x8: {  	[smem:$0x3FA6] =	sst s0  }
0x9: {  	[smem:$0x3FA7] =	sst s1  }
0xa: {  	[smem:$0x3FA8] =	sst s2  }
0xb: {  	[smem:$0x3FA9] =	sst s3  }
0xc: {  	[smem:$0x3FAA] =	sst s4  }
0xd: {  	[smem:$0x3FAB] =	sst s5  }
0xe: {  	[smem:$0x3FAC] =	sst s6  }
0xf: {  	[smem:$0x3FAD] =	sst s7  }
0x10: {  	[smem:$0x3FAE] =	sst s8  }
0x11: {  	[smem:$0x3FAF] =	sst s9;
	s0 =	simm.s32 @!p0 $0x0  }
0x12: {  	s1 =	sld [smem:$0x3F95];
	s0 =	simm.s32 @p0 $0x1  }
0x13: {  	[smem:$0x3FB0] =	sst s0;
	s0 =	simm.s32 @!p1 $0x0  }
0x14: {  	s2 =	sld [smem:$0x3F94];
	s0 =	simm.s32 @p1 $0x1  }
0x15: {  	[smem:$0x3FB1] =	sst s0;
	s0 =	simm.s32 @!p2 $0x0  }
0x16: {  	s3 =	sld [smem:$0x3FDB];
	s0 =	simm.s32 @p2 $0x1  }
0x17: {  	s4 =	simm.s32 $0x1BF5;
	[smem:$0x3FB3] =	sst s0  }
0x18: {  	s0 =	sld [smem:$0x3F96];
	_ =	swait.ge [sflag:s4], $0x0  }
0x19: {  	s7 =	sld [smem:$0x3F97]  }
0x1a: {  	s8 =	sadd.s32 $0xFFFFE003, lr  }
0x1b: {  	s9 =	sadd.s32 $0xFFFFFEF7, lr;
	s5 =	simm.s32 $0xFFFFFFFF;
	p2 =	slt.u32 s8, $0xFFFFF086  }
0x1c: {  	p1 =	slt.u32 s9, $0xF7A;
	s5 =	simm.s32 @!p2 $0x0  }
0x1d: {  	s5 =	simm.s32 @p1 $0x1;
	p0 =	seq.s32 s7, s2  }
0x1e: {  	s7 =	smul.u32 @!p0 $0xF7A, s2;
	p2 =	seq.s32 @!p0 s5, $0x0  }
0x1f: {  	s9 =	smul.u32 $0xF7A, s1;
	s8 =	simm.s32 @!p0 $0x1BF5;
	p2 =	por !p2, p0  }
0x20: {  	[sflag:s8] =	ssyncset.s32 @!p0 $0xFFFFF086;
	s6 =	sadd.s32 @!p0 s3, s7;
	s7 =	simm.s32 @!p0 $0x108  }
0x21: {  	s3 =	sadd.s32 s3, s9;
	s6 =	sadd.s32 @!p0 $0x88, s6;
	s7 =	simm.s32 @p2 $0x1082  }
0x22: {  	[simem:s7], [sflag:s8] =	dma.local @!p0 [hbm:s6], $0xF7A  }
0x23: {  	s9 =	sor.u32 $0xD0000000, s2;
	s6 =	simm.s32 $0x108;
	_ =	swait.ge @!p0 [sflag:s8], $0x0  }
0x24: {  	s3 =	sadd.s32 $0x88, s3;
	s6 =	simm.s32 @!p1 $0x1082;
	[sflag:s4] =	ssyncset.s32 $0xFFFFF086  }
0x25: {  	[simem:s6], [sflag:s4] =	dma.local [hbm:s3], $0xF7A  }
0x26: {  	[smem:$0x3F97] =	sst s1;
	(tag) =	ssettag s2;
	_ =	strace s9  }
0x27: {  	s1 =	sld [smem:$0x3FA7]  }
0x28: {  	s2 =	sld [smem:$0x3FA8]  }
0x29: {  	s4 =	sld [smem:$0x3FAA]  }
0x2a: {  	p0 =	seq.s32 s5, $0x0;
	s5 =	sld [smem:$0x3FAB]  }
0x2b: {  	s6 =	sld [smem:$0x3FAC]  }
0x2c: {  	s7 =	sld [smem:$0x3FAD]  }
0x2d: {  	s3 =	simm.s32 $0x108;
	s8 =	sld [smem:$0x3FAE]  }
0x2e: {  	s3 =	simm.s32 @!p0 $0x1082;
	s9 =	sld [smem:$0x3FAF]  }
0x2f: {  	lr =	sadd.s32 s0, s3;
	s0 =	sld [smem:$0x3FA6]  }
0x30: {  	s3 =	sld [smem:$0x3FA9]  }
0x31: {  	[smem:$0x3FB2] =	sst s10  }
0x32: {  	s10 =	sld [smem:$0x3FB0];
	_ =	sdelay $0x3  }
0x33: {  	p0 =	seq.s32 s10, $0x1;
	s10 =	sld [smem:$0x3FB2];
	_ =	sdelay $0x3  }
0x34: {  	[smem:$0x3FB2] =	sst s10  }
0x35: {  	s10 =	sld [smem:$0x3FB1];
	_ =	sdelay $0x3  }
0x36: {  	p1 =	seq.s32 s10, $0x1;
	s10 =	sld [smem:$0x3FB2];
	_ =	sdelay $0x3  }
0x37: {  	[smem:$0x3FB2] =	sst s10  }
0x38: {  	s10 =	sld [smem:$0x3FB3]  }
0x39: {  	_ = 	snop;
	(pc) =	sbr.ind lr, $3  }
0x3a: {  	_ = 	snop  }
0x3b: {  	_ = 	snop  }
0x3c: {  	p2 =	seq.s32 s10, $0x1;
	s10 =	sld [smem:$0x3FB2]  }
0x3d: {  	_ =	shalt  }
0x3e: {  	_ =	shalt  }
0x3f: {  	_ =	shalt  }
0x40: {  	_ =	shalt  }
0x41: {  	_ =	shalt  }
0x42: {  	_ =	shalt  }
0x43: {  	_ =	shalt  }
0x44: {  	_ =	shalt  }
0x45: {  	_ =	shalt  }
0x46: {  	_ =	shalt  }
0x47: {  	_ =	shalt  }
0x48: {  	_ =	shalt  }
0x49: {  	_ =	shalt  }
0x4a: {  	_ =	shalt  }
0x4b: {  	_ =	shalt  }
0x4c: {  	_ =	shalt  }
0x4d: {  	_ =	shalt  }
0x4e: {  	_ =	shalt  }
0x4f: {  	_ =	shalt  }
0x50: {  	_ =	shalt  }
0x51: {  	_ =	shalt  }
0x52: {  	_ =	shalt  }
0x53: {  	_ =	shalt  }
0x54: {  	_ =	shalt  }
0x55: {  	_ =	shalt  }
0x56: {  	_ =	shalt  }
0x57: {  	_ =	shalt  }
0x58: {  	_ =	shalt  }
0x59: {  	_ =	shalt  }
0x5a: {  	_ =	shalt  }
0x5b: {  	_ =	shalt  }
0x5c: {  	_ =	shalt  }
0x5d: {  	_ =	shalt  }
0x5e: {  	_ =	shalt  }
0x5f: {  	_ =	shalt  }
0x60: {  	_ =	shalt  }
0x61: {  	_ =	shalt  }
0x62: {  	_ =	shalt  }
0x63: {  	_ =	shalt  }
0x64: {  	_ =	shalt  }
0x65: {  	_ =	shalt  }
0x66: {  	_ =	shalt  }
0x67: {  	_ =	shalt  }
0x68: {  	_ =	shalt  }
0x69: {  	_ =	shalt  }
0x6a: {  	_ =	shalt  }
0x6b: {  	_ =	shalt  }
0x6c: {  	_ =	shalt  }
0x6d: {  	_ =	shalt  }
0x6e: {  	_ =	shalt  }
0x6f: {  	_ =	shalt  }
0x70: {  	_ =	shalt  }
0x71: {  	_ =	shalt  }
0x72: {  	_ =	shalt  }
0x73: {  	_ =	shalt  }
0x74: {  	_ =	shalt  }
0x75: {  	_ =	shalt  }
0x76: {  	_ =	shalt  }
0x77: {  	_ =	shalt  }
0x78: {  	_ =	shalt  }
0x79: {  	_ =	shalt  }
0x7a: {  	_ =	shalt  }
0x7b: {  	_ =	shalt  }
0x7c: {  	_ =	shalt  }
0x7d: {  	_ =	shalt  }
0x7e: {  	_ =	shalt  }
0x7f: {  	_ =	shalt  }
0x80: {  	_ =	shalt  }
0x81: {  	_ =	shalt  }
0x82: {  	_ =	shalt  }
0x83: {  	_ =	shalt  }
0x84: {  	_ =	shalt  }
0x85: {  	_ =	shalt  }
0x86: {  	_ =	shalt  }
0x87: {  	_ =	shalt  }
.Lfunc_end0:
.L_simem_size_0:
called_computation.1_lowered:
.L_overlay_start_0:
0x88: {  	s2 =	sld [smem:$0x3FD9]  }
0x89: {  	s3 =	sld [smem:$0x3FFE];
	_ =	sdelay $0x1  }
0x8a: {  	s1 =	srdreg.scid  }
0x8b: {  	s0 =	sand.u32 $0x1, s1  }
0x8c: {  	s17 =	sshll.u32 s0, $0xA;
	s2 =	sadd.s32 s3, s2  }
0x8d: {  	s2 =	sadd.s32 s2, s17  }
0x8e: {  	[smem:$0x3FBE] =	sst s2  }
0x8f: {  	_ = 	snop  }
0x90: {  	(tm) =	ssettm $0x1  }
0x91: {  	s18 =	sld [smem:$0x3FFB];
	_ =	sdelay $0x3  }
0x92: {  	_ =	strace s18  }
0x93: {  	s2 =	sld [smem:$0x3FFC];
	_ =	sdelay $0x3  }
0x94: {  	_ =	strace s2  }
0x95: {  	s2 =	sld [smem:$0x3FFD];
	_ =	sdelay $0x3  }
0x96: {  	_ =	strace s2  }
0x97: {  	_ =	strace $0x8FFFFFFF  }
0x98: {  	s19 =	sld [smem:$0x3FDB];
	_ =	sdelay $0x1  }
0x99: {  	s20 =	simm.s32 $_scs_section_size  }
0x9a: {  	s4 =	simm.s32 $_size__tile_overlayer_lowered;
	s5 =	simm.s32 $_tile_overlayer_lowered  }
0x9b: {  	s6 =	simm.s32 $0x1BFF;
	s21 =	sshll.u32 s5, $0x1;
	s3 =	sadd.s32 s20, s19  }
0x9c: {  	s22 =	simm.s32 $0x0;
	s4 =	sshll.u32 s4, $0x1;
	s5 =	sadd.s32 s21, s3  }
0x9d: {  	[timem:s22], [sflag:s6] =	dma.local [hbm:s5], s4  }
0x9e: {  	_ =	swait.ge [sflag:s6], s4  }
0x9f: {  	s4 =	ssub.s32 $0x0, s4;
	[sflag:s6] =	ssyncset.done $0x0  }
0xa0: {  	[sflag:s6] =	ssyncadd.s32 s4;
	_ =	sdelay $0x1  }
0xa1: {  	s23 =	simm.s32 $0x1B8B  }
0xa2: {  	_ =	swait.ge [sflag:s23], $0x1  }
0xa3: {  	[sflag:s23] =	ssyncset.done $0x0  }
0xa4: {  	[sflag:s23] =	ssyncadd.s32 $0xFFFFFFFF  }
0xa5: {  	s4 =	sld [smem:$0x0]  }
0xa6: {  	s5 =	sand.u32 $0xFFFFFFFE, s1  }
0xa7: {  	p0 =	sne.s32 s1, s5  }
0xa8: {  	s5 =	sshll.u32 @p0 s5, $0xE  }
0xa9: {  	s5 =	sadd.s32 @p0 $0x11B8D, s5;
	s6 =	sshll.u32 @p0 s4, $0x11  }
0xaa: {  	s5 =	sor.u32 @p0 s6, s5  }
0xab: {  	[sflag:s5] =	ssyncadd.remote.s32 @p0 $0x1;
	_ =	sdelay $0x1  }
0xac: {  	s5 =	simm.s32 @p0 $0x1B8D  }
0xad: {  	_ =	swait.eq @p0 [sflag:s5], $0x1  }
0xae: {  	[sflag:s5] =	ssyncadd.s32 @p0 $0xFFFFFFFF  }
0xaf: {  	s6 =	sshll.u32 @!p0 s1, $0xE  }
0xb0: {  	s6 =	sor.u32 @!p0 $0x4000, s6;
	s5 =	simm.s32 @!p0 $0x1B8D  }
0xb1: {  	s4 =	sshll.u32 @!p0 s4, $0x11;
	s6 =	sadd.s32 @!p0 $0x11B8D, s6;
	_ =	swait.eq @!p0 [sflag:s5], $0x1  }
0xb2: {  	s4 =	sor.u32 @!p0 s4, s6;
	[sflag:s5] =	ssyncadd.s32 @!p0 $0xFFFFFFFF  }
0xb3: {  	s25 =	simm.s32 $0x1B8E;
	s24 =	sld [smem:$0x3FFE];
	[sflag:s4] =	ssyncadd.remote.s32 @!p0 $0x1  }
0xb4: {  	s26 =	simm.s32 $execute0_lowered;
	[smem:$0x3FD2] =	sst s25  }
0xb5: {  	s5 =	sshll.u32 s26, $0x1;
	_ =	strace $0x80000049;
	[dreg:$0x1] =	wrdreg $0xFFFFFFFF  }
0xb6: {  	s28 =	simm.s32 $_size_execute0_lowered;
	s3 =	sadd.s32 s3, s5;
	[dreg:$0x0] =	wrdreg $0x0  }
0xb7: {  	s5 =	sshll.u32 s28, $0x1;
	[dreg:$0x2] =	wrdreg s3  }
0xb8: {  	[dreg:$0x3] =	wrdreg s5  }
0xb9: {  	[dreg:$0x4] =	wrdreg $0xC0  }
0xba: {  	_ =	task [dreg:s22], $0x5FFFF  }
0xbb: {  	[dreg:$0x1] =	wrdreg $0xFFFFFFFF  }
0xbc: {  	[dreg:$0x0] =	wrdreg $0x60  }
0xbd: {  	[dreg:$0x2] =	wrdreg s24  }
0xbe: {  	[dreg:$0x3] =	wrdreg $0xA  }
0xbf: {  	_ =	task.clear_ibuf [dreg:s22], $0x4FFFF;
	_ =	strace $0x90000049  }
0xc0: {  	s29 =	simm.s32 $0xA;
	_ =	strace $0x8000004B  }
0xc1: {  	_ =	swait.ge [sflag:s29], $0x1  }
0xc2: {  	[sflag:s29] =	ssyncadd.s32 $0xFFFFFFFF  }
0xc3: {  	_ =	strace $0x9000004B  }
0xc4: {  	_ =	sfence  }
0xc5: {  	s30 =	sld [smem:$0x0];
	_ =	sdelay $0x2  }
0xc6: {  	s31 =	sshll.u32 s1, $0xD;
	s1 =	sshrl.u32 s1, $0x2  }
0xc7: {  	s4 =	sand.u32 $0x4000, s31;
	s1 =	sadd.s32 s1, s30  }
0xc8: {  	s0 =	sor.u32 s4, s0;
	s1 =	sshll.u32 s1, $0x11  }
0xc9: {  	s0 =	sor.u32 s1, s0  }
0xca: {  	s0 =	sadd.s32 $0x8F2B, s0  }
0xcb: {  	[sflag:s0] =	ssyncadd.remote.s32 $0x1  }
0xcc: {  	_ =	sfence.sel $0xFFFF  }
0xcd: {  	[dreg:$0x0] =	wrdreg $0xFFFFFFFF;
	(pc) =	sbr.abs _section_cstart, $3  }
0xce: {  	[dreg:$0x1] =	wrdreg $0xFFFFFFFF  }
0xcf: {  	_ =	task.clear_ibuf [dreg:s22], $0x2FFFF;
	_ =	strace $0x9FFFFFFF  }
0xd0: {  	(tm) =	ssettm $0x7FFFFFFF  }
0xd1: {  	_ =	shalt  }
tec
execute0_lowered:
.L_overlay_start_1:
0x0: {  	(tag) =	ssettag $0x1  }
0x1: {  	s8 =	rddreg [dreg:$0x0]  }
0x2: {  	s0 =	rddreg [dreg:$0x1];
	s1 =	srdreg.scid;
	_ =	strace $0x8000004A  }
0x3: {  	s4 =	simm.s32 $0x1;
	s6 =	simm.s32 $0x2;
	s10 =	simm.s32 $0x3  }
0x4: {  	p3 =	por $0x0, $0x0;
	s11 =	simm.s32 $0x80;
	s3 =	sshll.u32 s1, $0x4  }
.Ltmp0:
0x5: {  	s1 =	stileid.u32;
	s5 =	sand.u32 $0x10, s3;
	(pc) =	sbr.rel .LBB2_1-.Ltmp0, $4  }
0x6: {  	s2 =	sadd.s32 $0x1EA000, s8;
	[sflag:s4] =	ssyncpa.u1 $0x0;
	s5 =	sor.u32 s1, s5  }
0x7: {  	s7 =	sadd.s32 $0x10E0E00, s8;
	[sflag:s6] =	ssyncpa.u1 $0x0;
	s5 =	smul.u32 $0x2850, s5  }
0x8: {  	s3 =	sadd.s32 $0x32E00, s8;
	s8 =	sadd.s32 $0x3D000, s8;
	[sflag:s10] =	ssyncpa.u1 $0x0  }
0x9: {  	v0 =	vlaneseq.u32;
	s10 =	simm.s32 $0x0;
	s9 =	sadd.s32 $0x2850, s5;
	s12 =	smov.u32 s5  }
.LBB2_6:
0xa: {  	s15 =	sadd.s32 s17, s15  }
0xb: {  	v2 =	vld.msk [tilespmem:s15+$0x0 ss:$0x1], $0x1;
	_ =	sdelay $0x2  }
0xc: {  	(v2sf) =	vpush v1, $0x1  }
0xd: {  	(v2sf) =	vpush v1, $0x0  }
0xe: {  	(v2sf) =	vpush v2, $0x0;
	_ =	sdelay $0xc  }
0xf: {  	p0 =	seq.s32 s19, $0xBC;
	s18 =	simm.s32 $0x1;
	s15 =	spop (v2sf)  }
0x10: {  	s18 =	simm.s32 @!p0 $0x2;
	s15 =	simm.s32 @p1 $0xFFFFFFFF;
	s23 =	spop (v2sf)  }
0x11: {  	p0 =	sne.s32 s23, s15;
	s15 =	simm.s32 $0x1;
	s20 =	spop (v2sf)  }
0x12: {  	v1 =	vmov s18;
	s15 =	simm.s32 @!p0 $0x0;
	s24 =	sshrl.u32 s20, $0x3  }
0x13: {  	vm0 =	vgt.u32 v1, v0;
	s15 =	sadd.s32 s15, s16;
	s26 =	sshll.u32 s20, $0x7;
	s25 =	smul.u32 $0x2800, s24  }
0x14: {  	s15 =	smul.u32 $0x1400, s15;
	s28 =	sand.u32 $0x380, s26  }
0x15: {  	s16 =	sor.u32 s28, s25  }
0x16: {  	s15 =	sshra.s32 s15, $0x2;
	s16 =	sshrl.u32 s16, $0x3  }
0x17: {  	s13 =	sadd.s32 s17, s13;
	s14 =	sadd.s32 s15, s14;
	s29 =	sadd.s32 s7, s16  }
0x18: {  	[hbm:s29] =	stream.strided.scatter [tilespmem:s14], [sflag:$0x3], $0x500, s11, s11, $0x38;
	[tilespmem:$0x1E0C0] =	vst v63  }
0x19: {  	v1 =	vld.msk [tilespmem:s13+$0x0 ss:$0x1], vm0;
	_ =	sdelay $0x4  }
0x1a: {  	(v2sf) =	vpush v1, $0x1  }
0x1b: {  	(v2sf) =	vpush v1, $0x0;
	_ =	sdelay $0xb  }
0x1c: {  	s13 =	sld [smem:$0x7FB];
	_ =	sdelay $0x1  }
0x1d: {  	s30 =	spop (v2sf)  }
0x1e: {  	p3 =	seq.s32 s13, $0x1;
	s31 =	spop (v2sf)  }
.LBB2_7:
0x1f: {  	p0 =	slt.u32 s10, $0x2;
	s10 =	sadd.s32 $0x1, s10  }
0x20: {  	p2 =	sne.s32 s10, $0xD9  }
.Ltmp1:
0x21: {  	_ = 	snop;
	(pc) =	sbr.rel @!p2 .LBB2_8-.Ltmp1, $4  }
0x22: {  	s13 =	simm.s32 @!p0 $0x3  }
0x23: {  	s14 =	sadd.s32 $0x30, s12;
	_ =	swait.ge @!p0 [sflag:s13], $0xF000  }
0x24: {  	s12 =	smov.u32 s5;
	p1 =	slt.s32 s14, s9;
	[sflag:s13] =	ssyncset.done @!p0 $0x0  }
0x25: {  	p3 =	por !p3, !p3;
	s12 =	smov.u32 @p1 s14;
	[sflag:s13] =	ssyncadd.s32 @!p0 $0xFFFF1000  }
.LBB2_1:
0x26: {  	p0 =	sgt.u32 s10, $0xD6  }
0x27: {  	s13 =	sxor.u32 @!p0 $0xFFFFFFFF, s10  }
0x28: {  	s13 =	sand.u32 @!p0 $0x1, s13  }
0x29: {  	s14 =	sshrl.u32 @!p0 s12, $0x3;
	s13 =	smul.u32 @!p0 $0x30, s13  }
0x2a: {  	s16 =	sand.u32 @!p0 $0x7, s12;
	s15 =	sadd.s32 @!p0 s3, s14  }
0x2b: {  	[tilespmem:s13], [sflag:$0x2] =	stream.linear.gather @!p0 [hbm4b:s15+s16], $0x30, $0x38;
	[tilespmem:$0x1E0C0] =	vst v63  }
0x2c: {  	s31 =	sadd.s32 $0xFFFFFFFF, s10;
	s14 =	sadd.s32 @!p0 s8, s14;
	s13 =	sadd.s32 @!p0 $0x60, s13  }
0x2d: {  	[tilespmem:s13], [sflag:$0x2] =	stream.linear.gather @!p0 [hbm4b:s14+s16], $0x30, $0x38;
	[tilespmem:$0x1E0C0] =	vst v63  }
0x2e: {  	p0 =	sgt.u32 s31, $0xD6  }
.Ltmp2:
0x2f: {  	_ = 	snop;
	(pc) =	sbr.rel @p0 .LBB2_7-.Ltmp2, $1  }
0x30: {  	_ =	sdelay $0x3  }
0x31: {  	p2 =	por $0x0, $0x0;
	s13 =	simm.s32 $0x1  }
0x32: {  	s13 =	simm.s32 @!p2 $0x2  }
0x33: {  	v1 =	vmov s13  }
0x34: {  	s14 =	simm.s32 @!p3 $0x0;
	s13 =	simm.s32 $0x1;
	vm0 =	vgt.u32 v1, v0  }
0x35: {  	s14 =	simm.s32 @p3 $0x1;
	s13 =	simm.s32 @!p3 $0x0  }
0x36: {  	[smem:$0x7FB] =	sst s14;
	s13 =	smul.u32 $0xC0, s13  }
0x37: {  	_ =	swait.ge [sflag:s6], $0x60  }
0x38: {  	[sflag:s6] =	ssyncset.done $0x0;
	s13 =	sshrl.u32 s13, $0x2  }
0x39: {  	[sflag:s6] =	ssyncadd.s32 $0xFFFFFFA0;
	s25 =	sadd.s32 $0x0, s13  }
0x3a: {  	v1 =	vld.msk [tilespmem:s25+$0x0 ss:$0x1], vm0;
	_ =	sdelay $0x4  }
0x3b: {  	(v2sf) =	vpush v1, $0x1  }
0x3c: {  	(v2sf) =	vpush v1, $0x0;
	_ =	sdelay $0x1  }
0x3d: {  	p0 =	por $0x0, $0x0;
	s14 =	simm.s32 $0x1  }
0x3e: {  	s14 =	simm.s32 @!p0 $0x2  }
0x3f: {  	v2 =	vmov s14  }
0x40: {  	vm12 =	vgt.u32 v2, v0;
	_ =	sdelay $0x3  }
0x41: {  	p1 =	por $0x0, $0x0;
	s15 =	simm.s32 $0x1  }
0x42: {  	s15 =	simm.s32 @!p1 $0x2;
	s26 =	sadd.s32 $0x1, s13  }
0x43: {  	v3 =	vmov s15;
	v2 =	vld.msk [tilespmem:s26+$0x0 ss:$0x1], vm12  }
0x44: {  	p2 =	por p2, p2;
	vm13 =	vgt.u32 v3, v0  }
0x45: {  	p2 =	por p2, p2  }
0x46: {  	p2 =	por p2, p2;
	s14 =	spop (v2sf)  }
0x47: {  	s14 =	simm.s32 @p2 $0xFFFFFFFF;
	s16 =	spop (v2sf)  }
0x48: {  	(v2sf) =	vpush v2, $0x1;
	p2 =	seq.s32 s16, s14  }
0x49: {  	s28 =	sadd.s32 $0x2, s13;
	(v2sf) =	vpush v2, $0x0;
	vm0 =	vgt.s32 @!p2 v1, $0x0  }
0x4a: {  	v3 =	vld.msk [tilespmem:s28+$0x0 ss:$0x1], vm13;
	v1 =	vnsel @!p2 vm0, $0x0, v1  }
0x4b: {  	v1 =	vmin.u32 @!p2 v1, $0x270F  }
0x4c: {  	(v2sf) =	vpush @!p2 v1, $0x0  }
0x4d: {  	s29 =	sand.u32 $0x1, s10;
	s20 =	simm.s32 $0x1  }
0x4e: {  	s24 =	simm.s32 $0x1;
	p4 =	por p1, p1;
	p1 =	por $0x0, $0x0  }
0x4f: {  	s22 =	simm.s32 $0x18;
	s20 =	simm.s32 @!p1 $0x2;
	p4 =	por p4, p4;
	(v2sf) =	vpush v3, $0x1  }
0x50: {  	p5 =	por p1, p1;
	p1 =	por $0x0, $0x0;
	p0 =	por p0, p0;
	(v2sf) =	vpush v3, $0x0  }
0x51: {  	s24 =	simm.s32 @!p1 $0x2;
	p1 =	por p4, p4;
	p0 =	por p0, p0  }
0x52: {  	p5 =	por p5, p5;
	p4 =	por $0x0, $0x0;
	p3 =	por p0, p0  }
0x53: {  	s15 =	sadd.s32 $0x60, s13;
	s30 =	sadd.s32 $0x3, s13;
	s31 =	sadd.s32 $0x4, s13  }
0x54: {  	s28 =	simm.s32 $0x1;
	s14 =	smul.u32 $0x3C000, s29;
	s16 =	simm.s32 $0x0  }
0x55: {  	s17 =	smul.u32 @!p2 $0x1400, s16;
	s18 =	simm.s32 @!p2 $0x1;
	s19 =	simm.s32 @!p2 $0x80;
	v1 =	vmov s20  }
0x56: {  	p6 =	por p2, p2;
	s14 =	sshrl.u32 s14, $0x2;
	s18 =	smov.u32 @p2 s16;
	vm14 =	vgt.u32 v1, v0  }
0x57: {  	s16 =	spop (v2sf);
	s14 =	sor.u32 $0xC0, s14;
	s17 =	sshra.s32 @!p2 s17, $0x2  }
0x58: {  	s16 =	simm.s32 @p3 $0xFFFFFFFF;
	s21 =	spop (v2sf);
	p3 =	por p4, p4  }
0x59: {  	v4 =	vmov s24;
	p4 =	por p6, p6;
	p6 =	por $0x0, $0x0;
	s24 =	simm.s32 @!p3 $0x0  }
0x5a: {  	s20 =	simm.s32 $0x14;
	p0 =	seq.s32 s21, s16;
	s24 =	simm.s32 @p3 $0x1  }
0x5b: {  	[smem:$0x7FC] =	sst s24;
	s24 =	spop @!p2 (v2sf);
	p2 =	por p0, p0  }
0x5c: {  	s28 =	simm.s32 @!p6 $0x2;
	s16 =	smul.u32 @!p0 $0x1400, s18;
	vm1 =	vgt.s32 @!p0 v2, $0x0;
	v1 =	vld.msk [tilespmem:s30+$0x0 ss:$0x1], vm14;
	s21 =	simm.s32 @!p2 $0x0  }
0x5d: {  	vm15 =	vgt.u32 v4, v0;
	s23 =	sadd.s32 @!p0 $0x1, s18;
	v2 =	vnsel @!p0 vm1, $0x0, v2;
	s25 =	sshrl.u32 @!p4 s24, $0x3;
	s21 =	simm.s32 @p2 $0x1  }
0x5e: {  	v2 =	vmin.u32 @!p0 v2, $0x270F;
	s24 =	sshll.u32 @!p4 s24, $0x7;
	[smem:$0x7FD] =	sst s21;
	s21 =	spop (v2sf)  }
0x5f: {  	(v2sf) =	vpush @!p0 v2, $0x0;
	s25 =	smul.u32 @!p4 $0x2800, s25;
	s21 =	simm.s32 @p1 $0xFFFFFFFF;
	s26 =	spop (v2sf)  }
0x60: {  	s23 =	smov.u32 @p0 s18;
	s24 =	sand.u32 @!p4 $0x380, s24;
	p3 =	seq.s32 s26, s21  }
0x61: {  	s18 =	sshra.s32 @!p0 s16, $0x2;
	(v2sf) =	vpush v1, $0x1;
	s25 =	sor.u32 @!p4 s24, s25;
	vm1 =	vgt.s32 @!p3 v3, $0x0;
	s26 =	smul.u32 @!p3 $0x1400, s23  }
0x62: {  	s16 =	simm.s32 @!p0 $0x80;
	(v2sf) =	vpush v1, $0x0;
	s25 =	sshrl.u32 @!p4 s25, $0x3;
	s21 =	sadd.s32 @!p3 $0x1, s23;
	v4 =	vnsel @!p3 vm1, $0x0, v3  }
0x63: {  	v2 =	vld.msk [tilespmem:s31+$0x0 ss:$0x1], vm15;
	s21 =	smov.u32 @p3 s23;
	v3 =	vmov s28;
	s23 =	simm.s32 @!p3 $0x80;
	v4 =	vmin.u32 @!p3 v4, $0x270F;
	s24 =	sshra.s32 @!p3 s26, $0x2  }
.LBB2_3:
0x64: {  	s26 =	smov.u32 s21;
	p2 =	por p0, p0  }
0x65: {  	p0 =	por p3, p3;
	s21 =	sadd.s32 @!p4 s2, s25;
	s25 =	sadd.s32 @!p4 s17, s14  }
0x66: {  	s28 =	smov.u32 s22;
	s22 =	sadd.s32 $0x4, s22;
	s31 =	sld [smem:$0x7FC]  }
0x67: {  	s17 =	smov.u32 s18;
	s18 =	smov.u32 s24;
	s29 =	sld [smem:$0x7FD]  }
0x68: {  	[tilespmem:s25], [sflag:$0x1] =	stream.strided.gather @!p4 [hbm:s21], $0x500, s19, s19, $0x38;
	[tilespmem:$0x1E0C0] =	vst v63  }
0x69: {  	(v2sf) =	vpush @!p3 v4, $0x0;
	p3 =	por p5, p5;
	s30 =	sshra.s32 s20, $0x2;
	s19 =	smov.u32 s16  }
0x6a: {  	s16 =	smov.u32 s23;
	s20 =	smov.u32 s28;
	p1 =	seq.s32 s31, $0x1  }
0x6b: {  	p5 =	por p1, p1;
	p1 =	por p6, p6;
	p6 =	seq.s32 s29, $0x1  }
0x6c: {  	s28 =	simm.s32 $0x1;
	s24 =	simm.s32 @!p1 $0x0;
	p4 =	por p6, p6  }
0x6d: {  	vm0 =	vgt.u32 v3, v0;
	p6 =	por p0, p0;
	s24 =	simm.s32 @p1 $0x1;
	p1 =	sne.s32 s22, $0xC0  }
0x6e: {  	s21 =	simm.s32 @!p6 $0x0;
	s23 =	spop @!p2 (v2sf);
	[smem:$0x7FC] =	sst s24  }
0x6f: {  	s21 =	simm.s32 @p6 $0x1;
	s25 =	sshrl.u32 @!p4 s23, $0x3;
	s23 =	sshll.u32 @!p4 s23, $0x7  }
0x70: {  	p6 =	seq.s32 s20, $0xBC;
	[smem:$0x7FD] =	sst s21;
	s24 =	spop (v2sf)  }
.Ltmp3:
0x71: {  	s24 =	simm.s32 @p3 $0xFFFFFFFF;
	s31 =	spop (v2sf);
	(pc) =	sbr.rel @p1 .LBB2_3-.Ltmp3, $4  }
0x72: {  	s21 =	sadd.s32 s30, s13;
	p3 =	seq.s32 s31, s24;
	s24 =	smul.u32 @!p4 $0x2800, s25  }
0x73: {  	(v2sf) =	vpush v2, $0x1;
	v3 =	vmov v2;
	s23 =	sand.u32 @!p4 $0x380, s23;
	v2 =	vld.msk [tilespmem:s21+$0x0 ss:$0x1], vm0;
	vm0 =	vgt.s32 @!p3 v1, $0x0;
	s25 =	smul.u32 @!p3 $0x1400, s26;
	s21 =	sadd.s32 @!p3 $0x1, s26  }
0x74: {  	s28 =	simm.s32 @!p6 $0x2;
	v4 =	vnsel @!p3 vm0, $0x0, v1;
	s21 =	smov.u32 @p3 s26;
	s26 =	sor.u32 @!p4 s23, s24  }
0x75: {  	(v2sf) =	vpush v3, $0x0;
	v1 =	vmovc v3;
	v3 =	vmov s28;
	s23 =	simm.s32 @!p3 $0x80;
	v4 =	vmin.u32 @!p3 v4, $0x270F;
	s24 =	sshra.s32 @!p3 s25, $0x2;
	s25 =	sshrl.u32 @!p4 s26, $0x3  }
0x76: {  	_ =	sdelay $0x4  }
0x77: {  	vm0 =	vgt.u32 v3, v0;
	_ =	sdelay $0x1  }
0x78: {  	(v2sf) =	vpush @!p3 v4, $0x0  }
0x79: {  	(v2sf) =	vpush v2, $0x1  }
0x7a: {  	s20 =	sshra.s32 s20, $0x2;
	s22 =	spop @!p0 (v2sf);
	(v2sf) =	vpush v2, $0x0  }
0x7b: {  	s20 =	sadd.s32 s20, s13  }
0x7c: {  	s17 =	sadd.s32 @!p4 s17, s14;
	v3 =	vld.msk [tilespmem:s20+$0x0 ss:$0x1], vm0;
	s20 =	sadd.s32 @!p4 s2, s25  }
0x7d: {  	[tilespmem:s17], [sflag:$0x1] =	stream.strided.gather @!p4 [hbm:s20], $0x500, s19, s19, $0x38;
	[tilespmem:$0x1E0C0] =	vst v63  }
0x7e: {  	p0 =	por p5, p5;
	s26 =	spop (v2sf)  }
0x7f: {  	s26 =	simm.s32 @p0 $0xFFFFFFFF;
	s28 =	spop (v2sf)  }
0x80: {  	s17 =	sld [smem:$0x7FD];
	p0 =	seq.s32 s28, s26  }
0x81: {  	vm0 =	vgt.s32 @!p0 v1, $0x0  }
0x82: {  	s30 =	sld [smem:$0x7FC];
	v1 =	vnsel @!p0 vm0, $0x0, v1  }
0x83: {  	p1 =	seq.s32 s17, $0x1;
	v1 =	vmin.u32 @!p0 v1, $0x270F  }
0x84: {  	p2 =	por p1, p1;
	(v2sf) =	vpush @!p0 v1, $0x0  }
0x85: {  	p4 =	por p3, p3;
	p5 =	seq.s32 s30, $0x1;
	s17 =	sshrl.u32 @!p2 s22, $0x3;
	(v2sf) =	vpush v3, $0x1  }
0x86: {  	p1 =	por p5, p5;
	s19 =	sshll.u32 @!p2 s22, $0x7;
	s17 =	smul.u32 @!p2 $0x2800, s17;
	(v2sf) =	vpush v3, $0x0  }
0x87: {  	p1 =	por p1, p1;
	s19 =	sand.u32 @!p2 $0x380, s19;
	s20 =	spop @!p3 (v2sf)  }
0x88: {  	s18 =	sadd.s32 @!p2 s18, s14;
	s17 =	sor.u32 @!p2 s19, s17;
	s22 =	spop (v2sf)  }
0x89: {  	s17 =	sshrl.u32 @!p2 s17, $0x3;
	s22 =	simm.s32 @p1 $0xFFFFFFFF;
	s31 =	spop (v2sf)  }
0x8a: {  	p3 =	por p4, p4;
	s17 =	sadd.s32 @!p2 s2, s17;
	p1 =	seq.s32 s31, s22  }
0x8b: {  	[tilespmem:s18], [sflag:$0x1] =	stream.strided.gather @!p2 [hbm:s17], $0x500, s16, s16, $0x38;
	[tilespmem:$0x1E0C0] =	vst v63  }
0x8c: {  	s16 =	sshrl.u32 @!p3 s20, $0x3;
	vm0 =	vgt.s32 @!p1 v2, $0x0  }
0x8d: {  	s17 =	sshll.u32 @!p3 s20, $0x7;
	s16 =	smul.u32 @!p3 $0x2800, s16;
	v1 =	vnsel @!p1 vm0, $0x0, v2  }
0x8e: {  	s17 =	sand.u32 @!p3 $0x380, s17;
	v1 =	vmin.u32 @!p1 v1, $0x270F  }
0x8f: {  	s16 =	sor.u32 @!p3 s17, s16;
	(v2sf) =	vpush @!p1 v1, $0x0  }
0x90: {  	s16 =	sshrl.u32 @!p3 s16, $0x3  }
0x91: {  	p5 =	por p6, p6;
	s17 =	sadd.s32 @!p3 s24, s14;
	s16 =	sadd.s32 @!p3 s2, s16  }
0x92: {  	[tilespmem:s17], [sflag:$0x1] =	stream.strided.gather @!p3 [hbm:s16], $0x500, s23, s23, $0x38;
	[tilespmem:$0x1E0C0] =	vst v63  }
0x93: {  	p2 =	por p5, p5;
	s18 =	spop @!p0 (v2sf)  }
0x94: {  	p2 =	por p2, p2;
	s19 =	spop (v2sf)  }
0x95: {  	p6 =	por p0, p0;
	s19 =	simm.s32 @p2 $0xFFFFFFFF;
	s20 =	spop (v2sf)  }
0x96: {  	p3 =	por p6, p6;
	p2 =	seq.s32 s20, s19  }
0x97: {  	s16 =	sshrl.u32 @!p3 s18, $0x3;
	vm0 =	vgt.s32 @!p2 v3, $0x0  }
0x98: {  	s17 =	sshll.u32 @!p3 s18, $0x7;
	s16 =	smul.u32 @!p3 $0x2800, s16;
	v1 =	vnsel @!p2 vm0, $0x0, v3  }
0x99: {  	s18 =	smul.u32 @!p0 $0x1400, s21;
	s17 =	sand.u32 @!p3 $0x380, s17;
	v1 =	vmin.u32 @!p2 v1, $0x270F  }
0x9a: {  	s16 =	sor.u32 @!p3 s17, s16;
	(v2sf) =	vpush @!p2 v1, $0x0  }
0x9b: {  	p5 =	por p1, p1;
	s17 =	sshra.s32 @!p0 s18, $0x2;
	s16 =	sshrl.u32 @!p3 s16, $0x3  }
0x9c: {  	s18 =	simm.s32 @!p0 $0x80;
	s17 =	sadd.s32 @!p3 s17, s14;
	s16 =	sadd.s32 @!p3 s2, s16  }
0x9d: {  	[tilespmem:s17], [sflag:$0x1] =	stream.strided.gather @!p3 [hbm:s16], $0x500, s18, s18, $0x38;
	[tilespmem:$0x1E0C0] =	vst v63  }
0x9e: {  	p3 =	por p5, p5;
	s16 =	spop @!p1 (v2sf)  }
0x9f: {  	s17 =	sadd.s32 @!p0 $0x1, s21;
	s18 =	sshrl.u32 @!p3 s16, $0x3  }
0xa0: {  	s17 =	smov.u32 @p0 s21;
	s16 =	sshll.u32 @!p3 s16, $0x7;
	s18 =	smul.u32 @!p3 $0x2800, s18  }
0xa1: {  	s19 =	smul.u32 @!p1 $0x1400, s17;
	s16 =	sand.u32 @!p3 $0x380, s16  }
0xa2: {  	s16 =	sor.u32 @!p3 s16, s18  }
0xa3: {  	s18 =	sshra.s32 @!p1 s19, $0x2;
	s16 =	sshrl.u32 @!p3 s16, $0x3  }
0xa4: {  	s19 =	simm.s32 @!p1 $0x80;
	s18 =	sadd.s32 @!p3 s18, s14;
	s16 =	sadd.s32 @!p3 s2, s16  }
0xa5: {  	[tilespmem:s18], [sflag:$0x1] =	stream.strided.gather @!p3 [hbm:s16], $0x500, s19, s19, $0x38;
	[tilespmem:$0x1E0C0] =	vst v63  }
0xa6: {  	s18 =	sadd.s32 @!p1 $0x1, s17  }
0xa7: {  	s18 =	smov.u32 @p1 s17  }
0xa8: {  	p6 =	por p2, p2;
	s20 =	sadd.s32 @!p2 $0x1, s18  }
0xa9: {  	p0 =	por p6, p6;
	s20 =	smov.u32 @p2 s18;
	s16 =	spop @!p2 (v2sf)  }
0xaa: {  	s22 =	smul.u32 $0x1400, s20;
	s19 =	sshrl.u32 @!p0 s16, $0x3  }
0xab: {  	s16 =	sshll.u32 @!p0 s16, $0x7;
	s17 =	smul.u32 @!p0 $0x2800, s19  }
0xac: {  	s19 =	smul.u32 @!p2 $0x1400, s18;
	s16 =	sand.u32 @!p0 $0x380, s16  }
0xad: {  	s16 =	sor.u32 @!p0 s16, s17  }
0xae: {  	s23 =	sshrl.u32 s22, $0x2;
	s17 =	sshra.s32 @!p2 s19, $0x2;
	s16 =	sshrl.u32 @!p0 s16, $0x3  }
0xaf: {  	s18 =	simm.s32 @!p2 $0x80;
	s17 =	sadd.s32 @!p0 s17, s14;
	s16 =	sadd.s32 @!p0 s2, s16  }
0xb0: {  	[tilespmem:s17], [sflag:$0x1] =	stream.strided.gather @!p0 [hbm:s16], $0x500, s18, s18, $0x38;
	[tilespmem:$0x1E0C0] =	vst v63  }
0xb1: {  	_ =	swait.ge [sflag:s4], s23  }
0xb2: {  	s16 =	ssub.s32 $0x0, s23;
	[sflag:s4] =	ssyncset.done $0x0  }
0xb3: {  	s24 =	sadd.s32 $0x0, s15;
	[sflag:s4] =	ssyncadd.s32 s16  }
0xb4: {  	v1 =	vld.msk [tilespmem:s24+$0x0 ss:$0x1], $0x1;
	_ =	sdelay $0x4  }
0xb5: {  	(v2sf) =	vpush v1, $0x0;
	_ =	sdelay $0xd  }
0xb6: {  	p1 =	por $0x0, $0x0;
	s17 =	simm.s32 $0x1  }
0xb7: {  	s17 =	simm.s32 @!p1 $0x2;
	s25 =	spop (v2sf)  }
0xb8: {  	v1 =	vmov s17;
	s26 =	sshrl.u32 s25, $0x3  }
0xb9: {  	s16 =	simm.s32 $0x0;
	vm15 =	vgt.u32 v1, v0;
	s18 =	sshll.u32 s25, $0x7;
	s28 =	smul.u32 $0x2800, s26  }
0xba: {  	s29 =	smul.u32 $0x1400, s16;
	s18 =	sand.u32 $0x380, s18  }
0xbb: {  	s17 =	sor.u32 s18, s28  }
0xbc: {  	s30 =	sshra.s32 s29, $0x2;
	s17 =	sshrl.u32 s17, $0x3  }
0xbd: {  	s31 =	sadd.s32 $0x0, s13;
	s18 =	sadd.s32 s30, s14;
	s17 =	sadd.s32 s7, s17  }
0xbe: {  	[hbm:s17] =	stream.strided.scatter [tilespmem:s18], [sflag:$0x3], $0x500, s11, s11, $0x38;
	[tilespmem:$0x1E0C0] =	vst v63  }
0xbf: {  	s19 =	simm.s32 $0x4;
	s17 =	simm.s32 $0x1;
	s18 =	simm.s32 $0x8;
	v1 =	vld.msk [tilespmem:s31+$0x0 ss:$0x1], vm15  }
.LBB2_5:
0xc0: {  	p0 =	sne.s32 s18, $0xBC;
	s20 =	sadd.s32 s17, s15  }
0xc1: {  	v2 =	vld.msk [tilespmem:s20+$0x0 ss:$0x1], $0x1;
	_ =	sdelay $0x3  }
0xc2: {  	(v2sf) =	vpush v1, $0x1  }
0xc3: {  	(v2sf) =	vpush v1, $0x0  }
0xc4: {  	(v2sf) =	vpush v2, $0x0;
	_ =	sdelay $0xc  }
0xc5: {  	s20 =	spop (v2sf)  }
0xc6: {  	s21 =	simm.s32 $0x1;
	s20 =	simm.s32 @p1 $0xFFFFFFFF;
	p1 =	seq.s32 s19, $0xBC  }
0xc7: {  	s19 =	spop (v2sf);
	s21 =	simm.s32 @!p1 $0x2  }
0xc8: {  	s22 =	spop (v2sf);
	p2 =	sne.s32 s19, s20;
	v1 =	vmov s21;
	s21 =	simm.s32 $0x1  }
0xc9: {  	s19 =	smov.u32 s18;
	s20 =	sshrl.u32 s22, $0x3;
	s21 =	simm.s32 @!p2 $0x0  }
0xca: {  	s22 =	sshll.u32 s22, $0x7;
	s20 =	smul.u32 $0x2800, s20;
	vm0 =	vgt.u32 v1, v0;
	s16 =	sadd.s32 s21, s16  }
0xcb: {  	s21 =	sand.u32 $0x380, s22;
	s22 =	smul.u32 $0x1400, s16  }
.Ltmp4:
0xcc: {  	s20 =	sor.u32 s21, s20;
	(pc) =	sbr.rel @p0 .LBB2_5-.Ltmp4, $4  }
0xcd: {  	s20 =	sshrl.u32 s20, $0x3;
	s21 =	sshra.s32 s22, $0x2  }
0xce: {  	s20 =	sadd.s32 s7, s20;
	s22 =	sadd.s32 s17, s13;
	s21 =	sadd.s32 s21, s14  }
0xcf: {  	[hbm:s20] =	stream.strided.scatter [tilespmem:s21], [sflag:$0x3], $0x500, s11, s11, $0x38;
	[tilespmem:$0x1E0C0] =	vst v63  }
0xd0: {  	s18 =	sadd.s32 $0x4, s18;
	s17 =	sshra.s32 s19, $0x2;
	v1 =	vld.msk [tilespmem:s22+$0x0 ss:$0x1], vm0  }
.Ltmp5:
0xd1: {  	_ = 	snop;
	(pc) =	sbr.rel .LBB2_6-.Ltmp5, $1  }
0xd2: {  	_ =	sdelay $0x3  }
.LBB2_8:
0xd3: {  	_ =	sfence.sel $0x180000  }
0xd4: {  	s2 =	simm.s32 $0x2;
	[bflag:$0x0] =	sbarrier.arrive $0xFFFF  }
0xd5: {  	s30 =	simm.s32 $0x3;
	[sflag:s2] =	ssyncpa.u1 $0x1  }
0xd6: {  	s31 =	simm.s32 $0x1;
	[sflag:s30] =	ssyncpa.u1 $0x1  }
0xd7: {  	[sflag:s31] =	ssyncpa.u1 $0x1  }
0xd8: {  	p0 =	sne.s32 s1, $0x0;
	_ =	strace $0x9000004A  }
0xd9: {  	s0 =	sadd.s32 @!p0 $0x100000, s0;
	[bflag:$0x2] =	sbarrier.arrive $0xFFFF  }
0xda: {  	[sflag:s0] =	ssyncadd.tile.s32 @!p0 $0x1;
	_ =	shalt  }
.Lfunc_end2:
_tile_overlayer_lowered:
.L_overlay_start_2:
0xdb: {  	(tag) =	ssettag $0x2  }
0xdc: {  	s0 =	rddreg [dreg:$0x0];
	s2 =	stileid.u32  }
0xdd: {  	s1 =	rddreg [dreg:$0x1];
	p0 =	sne.s32 s2, $0x0  }
0xde: {  	s3 =	rddreg [dreg:$0x2];
	[bflag:$0x3] =	sbarrier.arrive $0xFFFF;
	s2 =	simm.s32 @!p0 $0x1C01  }
0xdf: {  	[timem:s3], [sflag:s2] =	dma.local @!p0 [hbm:s0], s1  }
0xe0: {  	s0 =	simm.s32 @!p0 $0x1  }
0xe1: {  	_ =	swait.ge @!p0 [sflag:s0], s1  }
0xe2: {  	s1 =	ssub.s32 @!p0 $0x0, s1;
	[sflag:s0] =	ssyncset.done @!p0 $0x0  }
0xe3: {  	[sflag:s0] =	ssyncadd.s32 @!p0 s1  }
0xe4: {  	[bflag:$0x3] =	sbarrier.arrive $0xFFFF  }
0xe5: {  	_ =	shalt  }

// kernel: scatter_offload_async_start
scs
__scs_entry_jumppad:
0x0: {  	(pc) =	sbr.rel $0x88, $3  }
0x1: {  	(tag) =	ssettag $0x0;
	lr =	simm.s32 $0x1  }
0x2: {  	[smem:$0x3F97] =	sst lr;
	_ =	strace $0xD0000000  }
0x3: {  	_ = 	snop  }
0x4: {  	_ = 	snop  }
0x5: {  	_ = 	snop  }
0x6: {  	_ = 	snop  }
0x7: {  	_ = 	snop  }
__scs_overlays_trampoline_lowered:
0x8: {  	[smem:$0x3FA6] =	sst s0  }
0x9: {  	[smem:$0x3FA7] =	sst s1  }
0xa: {  	[smem:$0x3FA8] =	sst s2  }
0xb: {  	[smem:$0x3FA9] =	sst s3  }
0xc: {  	[smem:$0x3FAA] =	sst s4  }
0xd: {  	[smem:$0x3FAB] =	sst s5  }
0xe: {  	[smem:$0x3FAC] =	sst s6  }
0xf: {  	[smem:$0x3FAD] =	sst s7  }
0x10: {  	[smem:$0x3FAE] =	sst s8  }
0x11: {  	[smem:$0x3FAF] =	sst s9;
	s0 =	simm.s32 @!p0 $0x0  }
0x12: {  	s1 =	sld [smem:$0x3F95];
	s0 =	simm.s32 @p0 $0x1  }
0x13: {  	[smem:$0x3FB0] =	sst s0;
	s0 =	simm.s32 @!p1 $0x0  }
0x14: {  	s2 =	sld [smem:$0x3F94];
	s0 =	simm.s32 @p1 $0x1  }
0x15: {  	[smem:$0x3FB1] =	sst s0;
	s0 =	simm.s32 @!p2 $0x0  }
0x16: {  	s3 =	sld [smem:$0x3FDB];
	s0 =	simm.s32 @p2 $0x1  }
0x17: {  	s4 =	simm.s32 $0x1BF5;
	[smem:$0x3FB3] =	sst s0  }
0x18: {  	s0 =	sld [smem:$0x3F96];
	_ =	swait.ge [sflag:s4], $0x0  }
0x19: {  	s7 =	sld [smem:$0x3F97]  }
0x1a: {  	s8 =	sadd.s32 $0xFFFFE003, lr  }
0x1b: {  	s9 =	sadd.s32 $0xFFFFFEF7, lr;
	s5 =	simm.s32 $0xFFFFFFFF;
	p2 =	slt.u32 s8, $0xFFFFF086  }
0x1c: {  	p1 =	slt.u32 s9, $0xF7A;
	s5 =	simm.s32 @!p2 $0x0  }
0x1d: {  	s5 =	simm.s32 @p1 $0x1;
	p0 =	seq.s32 s7, s2  }
0x1e: {  	s7 =	smul.u32 @!p0 $0xF7A, s2;
	p2 =	seq.s32 @!p0 s5, $0x0  }
0x1f: {  	s9 =	smul.u32 $0xF7A, s1;
	s8 =	simm.s32 @!p0 $0x1BF5;
	p2 =	por !p2, p0  }
0x20: {  	[sflag:s8] =	ssyncset.s32 @!p0 $0xFFFFF086;
	s6 =	sadd.s32 @!p0 s3, s7;
	s7 =	simm.s32 @!p0 $0x108  }
0x21: {  	s3 =	sadd.s32 s3, s9;
	s6 =	sadd.s32 @!p0 $0x88, s6;
	s7 =	simm.s32 @p2 $0x1082  }
0x22: {  	[simem:s7], [sflag:s8] =	dma.local @!p0 [hbm:s6], $0xF7A  }
0x23: {  	s9 =	sor.u32 $0xD0000000, s2;
	s6 =	simm.s32 $0x108;
	_ =	swait.ge @!p0 [sflag:s8], $0x0  }
0x24: {  	s3 =	sadd.s32 $0x88, s3;
	s6 =	simm.s32 @!p1 $0x1082;
	[sflag:s4] =	ssyncset.s32 $0xFFFFF086  }
0x25: {  	[simem:s6], [sflag:s4] =	dma.local [hbm:s3], $0xF7A  }
0x26: {  	[smem:$0x3F97] =	sst s1;
	(tag) =	ssettag s2;
	_ =	strace s9  }
0x27: {  	s1 =	sld [smem:$0x3FA7]  }
0x28: {  	s2 =	sld [smem:$0x3FA8]  }
0x29: {  	s4 =	sld [smem:$0x3FAA]  }
0x2a: {  	p0 =	seq.s32 s5, $0x0;
	s5 =	sld [smem:$0x3FAB]  }
0x2b: {  	s6 =	sld [smem:$0x3FAC]  }
0x2c: {  	s7 =	sld [smem:$0x3FAD]  }
0x2d: {  	s3 =	simm.s32 $0x108;
	s8 =	sld [smem:$0x3FAE]  }
0x2e: {  	s3 =	simm.s32 @!p0 $0x1082;
	s9 =	sld [smem:$0x3FAF]  }
0x2f: {  	lr =	sadd.s32 s0, s3;
	s0 =	sld [smem:$0x3FA6]  }
0x30: {  	s3 =	sld [smem:$0x3FA9]  }
0x31: {  	[smem:$0x3FB2] =	sst s10  }
0x32: {  	s10 =	sld [smem:$0x3FB0];
	_ =	sdelay $0x3  }
0x33: {  	p0 =	seq.s32 s10, $0x1;
	s10 =	sld [smem:$0x3FB2];
	_ =	sdelay $0x3  }
0x34: {  	[smem:$0x3FB2] =	sst s10  }
0x35: {  	s10 =	sld [smem:$0x3FB1];
	_ =	sdelay $0x3  }
0x36: {  	p1 =	seq.s32 s10, $0x1;
	s10 =	sld [smem:$0x3FB2];
	_ =	sdelay $0x3  }
0x37: {  	[smem:$0x3FB2] =	sst s10  }
0x38: {  	s10 =	sld [smem:$0x3FB3]  }
0x39: {  	_ = 	snop;
	(pc) =	sbr.ind lr, $3  }
0x3a: {  	_ = 	snop  }
0x3b: {  	_ = 	snop  }
0x3c: {  	p2 =	seq.s32 s10, $0x1;
	s10 =	sld [smem:$0x3FB2]  }
0x3d: {  	_ =	shalt  }
0x3e: {  	_ =	shalt  }
0x3f: {  	_ =	shalt  }
0x40: {  	_ =	shalt  }
0x41: {  	_ =	shalt  }
0x42: {  	_ =	shalt  }
0x43: {  	_ =	shalt  }
0x44: {  	_ =	shalt  }
0x45: {  	_ =	shalt  }
0x46: {  	_ =	shalt  }
0x47: {  	_ =	shalt  }
0x48: {  	_ =	shalt  }
0x49: {  	_ =	shalt  }
0x4a: {  	_ =	shalt  }
0x4b: {  	_ =	shalt  }
0x4c: {  	_ =	shalt  }
0x4d: {  	_ =	shalt  }
0x4e: {  	_ =	shalt  }
0x4f: {  	_ =	shalt  }
0x50: {  	_ =	shalt  }
0x51: {  	_ =	shalt  }
0x52: {  	_ =	shalt  }
0x53: {  	_ =	shalt  }
0x54: {  	_ =	shalt  }
0x55: {  	_ =	shalt  }
0x56: {  	_ =	shalt  }
0x57: {  	_ =	shalt  }
0x58: {  	_ =	shalt  }
0x59: {  	_ =	shalt  }
0x5a: {  	_ =	shalt  }
0x5b: {  	_ =	shalt  }
0x5c: {  	_ =	shalt  }
0x5d: {  	_ =	shalt  }
0x5e: {  	_ =	shalt  }
0x5f: {  	_ =	shalt  }
0x60: {  	_ =	shalt  }
0x61: {  	_ =	shalt  }
0x62: {  	_ =	shalt  }
0x63: {  	_ =	shalt  }
0x64: {  	_ =	shalt  }
0x65: {  	_ =	shalt  }
0x66: {  	_ =	shalt  }
0x67: {  	_ =	shalt  }
0x68: {  	_ =	shalt  }
0x69: {  	_ =	shalt  }
0x6a: {  	_ =	shalt  }
0x6b: {  	_ =	shalt  }
0x6c: {  	_ =	shalt  }
0x6d: {  	_ =	shalt  }
0x6e: {  	_ =	shalt  }
0x6f: {  	_ =	shalt  }
0x70: {  	_ =	shalt  }
0x71: {  	_ =	shalt  }
0x72: {  	_ =	shalt  }
0x73: {  	_ =	shalt  }
0x74: {  	_ =	shalt  }
0x75: {  	_ =	shalt  }
0x76: {  	_ =	shalt  }
0x77: {  	_ =	shalt  }
0x78: {  	_ =	shalt  }
0x79: {  	_ =	shalt  }
0x7a: {  	_ =	shalt  }
0x7b: {  	_ =	shalt  }
0x7c: {  	_ =	shalt  }
0x7d: {  	_ =	shalt  }
0x7e: {  	_ =	shalt  }
0x7f: {  	_ =	shalt  }
0x80: {  	_ =	shalt  }
0x81: {  	_ =	shalt  }
0x82: {  	_ =	shalt  }
0x83: {  	_ =	shalt  }
0x84: {  	_ =	shalt  }
0x85: {  	_ =	shalt  }
0x86: {  	_ =	shalt  }
0x87: {  	_ =	shalt  }
.Lfunc_end0:
.L_simem_size_0:
called_computation_lowered:
.L_overlay_start_0:
0x88: {  	s2 =	sld [smem:$0x3FD9]  }
0x89: {  	s3 =	sld [smem:$0x3FFE];
	_ =	sdelay $0x1  }
0x8a: {  	s1 =	srdreg.scid  }
0x8b: {  	s0 =	sand.u32 $0x1, s1  }
0x8c: {  	s16 =	sshll.u32 s0, $0xA;
	s2 =	sadd.s32 s3, s2  }
0x8d: {  	s2 =	sadd.s32 s2, s16  }
0x8e: {  	[smem:$0x3FBE] =	sst s2  }
0x8f: {  	_ = 	snop  }
0x90: {  	s2 =	sld [smem:$0x3FD0];
	(tm) =	ssettm $0x1  }
0x91: {  	s17 =	sld [smem:$0x3FFB];
	_ =	sdelay $0x3  }
0x92: {  	_ =	strace s17  }
0x93: {  	s3 =	sld [smem:$0x3FFC];
	_ =	sdelay $0x3  }
0x94: {  	_ =	strace s3  }
0x95: {  	s3 =	sld [smem:$0x3FFD];
	_ =	sdelay $0x3  }
0x96: {  	_ =	strace s3  }
0x97: {  	_ =	strace $0x8FFFFFFF  }
0x98: {  	s18 =	sld [smem:$0x3FDB];
	_ =	sdelay $0x1  }
0x99: {  	s4 =	simm.s32 $_scs_section_size  }
0x9a: {  	s5 =	simm.s32 $_size__tile_overlayer_lowered;
	s6 =	simm.s32 $_tile_overlayer_lowered  }
0x9b: {  	s21 =	simm.s32 $0x1BFF;
	s20 =	sshll.u32 s6, $0x1;
	s3 =	sadd.s32 s4, s18  }
0x9c: {  	s7 =	simm.s32 $0x0;
	s19 =	sshll.u32 s5, $0x1;
	s5 =	sadd.s32 s20, s3  }
0x9d: {  	[timem:s7], [sflag:s21] =	dma.local [hbm:s5], s19  }
0x9e: {  	_ =	swait.ge [sflag:s21], s19  }
0x9f: {  	s4 =	ssub.s32 $0x0, s19;
	[sflag:s21] =	ssyncset.done $0x0  }
0xa0: {  	[sflag:s21] =	ssyncadd.s32 s4;
	_ =	sdelay $0x1  }
0xa1: {  	s22 =	simm.s32 $0x1B8B  }
0xa2: {  	_ =	swait.ge [sflag:s22], $0x1  }
0xa3: {  	[sflag:s22] =	ssyncset.done $0x0  }
0xa4: {  	s23 =	sld [smem:$0x3FFE];
	[sflag:s22] =	ssyncadd.s32 $0xFFFFFFFF  }
0xa5: {  	s25 =	simm.s32 $0x1B8E;
	s24 =	sld [smem:$0x0]  }
0xa6: {  	s26 =	simm.s32 $execute0_lowered;
	[smem:$0x3FD2] =	sst s25  }
0xa7: {  	s6 =	sshll.u32 s26, $0x1;
	_ =	strace $0x80000046;
	[dreg:$0x1] =	wrdreg $0xFFFFFFFF  }
0xa8: {  	s28 =	simm.s32 $_size_execute0_lowered;
	s3 =	sadd.s32 s3, s6;
	[dreg:$0x0] =	wrdreg $0x0  }
0xa9: {  	s6 =	sshll.u32 s28, $0x1;
	[dreg:$0x2] =	wrdreg s3  }
0xaa: {  	[dreg:$0x3] =	wrdreg s6  }
0xab: {  	[dreg:$0x4] =	wrdreg $0xC0  }
0xac: {  	_ =	task [dreg:s7], $0x5FFFF  }
0xad: {  	[dreg:$0x1] =	wrdreg $0xFFFFFFFF  }
0xae: {  	[dreg:$0x0] =	wrdreg $0x60  }
0xaf: {  	[dreg:$0x2] =	wrdreg s23  }
0xb0: {  	[dreg:$0x3] =	wrdreg s2  }
0xb1: {  	[dreg:$0x4] =	wrdreg s1  }
0xb2: {  	[dreg:$0x5] =	wrdreg s24  }
0xb3: {  	[dreg:$0x6] =	wrdreg $0x9  }
0xb4: {  	_ =	task.clear_ibuf [dreg:s7], $0x7FFFF;
	_ =	strace $0x90000046  }
0xb5: {  	s29 =	simm.s32 $0x9;
	_ =	strace $0x80000048  }
0xb6: {  	_ =	swait.ge [sflag:s29], $0x1  }
0xb7: {  	[sflag:s29] =	ssyncadd.s32 $0xFFFFFFFF  }
0xb8: {  	_ =	strace $0x90000048  }
0xb9: {  	_ =	sfence  }
0xba: {  	s30 =	sld [smem:$0x0];
	_ =	sdelay $0x2  }
0xbb: {  	s31 =	sshll.u32 s1, $0xD;
	s1 =	sshrl.u32 s1, $0x2  }
0xbc: {  	s3 =	sand.u32 $0x4000, s31;
	s1 =	sadd.s32 s1, s30  }
0xbd: {  	s0 =	sor.u32 s3, s0;
	s1 =	sshll.u32 s1, $0x11  }
0xbe: {  	s0 =	sor.u32 s1, s0  }
0xbf: {  	s0 =	sadd.s32 $0x8F2B, s0  }
0xc0: {  	[sflag:s0] =	ssyncadd.remote.s32 $0x1  }
0xc1: {  	_ =	sfence.sel $0xFFFF  }
0xc2: {  	[dreg:$0x0] =	wrdreg $0xFFFFFFFF;
	(pc) =	sbr.abs _section_cstart, $3  }
0xc3: {  	[dreg:$0x1] =	wrdreg $0xFFFFFFFF  }
0xc4: {  	_ =	task.clear_ibuf [dreg:s7], $0x2FFFF;
	_ =	strace $0x9FFFFFFF  }
0xc5: {  	(tm) =	ssettm $0x7FFFFFFF  }
tec
execute0_lowered:
.L_overlay_start_1:
0x0: {  	(tag) =	ssettag $0x1  }
0x1: {  	s11 =	rddreg [dreg:$0x0]  }
0x2: {  	s13 =	rddreg [dreg:$0x1]  }
0x3: {  	s1 =	rddreg [dreg:$0x2];
	_ =	strace $0x80000047;
	s12 =	simm.s32 $0x1  }
0x4: {  	v0 =	vimm.s32 $0x0;
	[sflag:s12] =	ssyncpa.u1 $0x0  }
0x5: {  	[tilespmem:$0x28] =	vst v0  }
0x6: {  	[tilespmem:$0x38] =	vst v0  }
0x7: {  	[tilespmem:$0x48] =	vst v0  }
0x8: {  	[tilespmem:$0x58] =	vst v0  }
0x9: {  	[tilespmem:$0x68] =	vst v0  }
0xa: {  	[tilespmem:$0x78] =	vst v0  }
0xb: {  	[tilespmem:$0x88] =	vst v0  }
0xc: {  	[tilespmem:$0x98] =	vst v0  }
0xd: {  	[tilespmem:$0xA8] =	vst v0  }
0xe: {  	[tilespmem:$0xB8] =	vst v0  }
0xf: {  	[tilespmem:$0xC8] =	vst v0  }
0x10: {  	[tilespmem:$0xD8] =	vst v0  }
0x11: {  	[tilespmem:$0xE8] =	vst v0  }
0x12: {  	[tilespmem:$0xF8] =	vst v0  }
0x13: {  	[tilespmem:$0x108] =	vst v0  }
0x14: {  	[tilespmem:$0x118] =	vst v0  }
0x15: {  	[tilespmem:$0x128] =	vst v0  }
0x16: {  	[tilespmem:$0x138] =	vst v0  }
0x17: {  	[tilespmem:$0x148] =	vst v0  }
0x18: {  	[tilespmem:$0x158] =	vst v0  }
0x19: {  	[tilespmem:$0x168] =	vst v0  }
0x1a: {  	[tilespmem:$0x178] =	vst v0  }
0x1b: {  	[tilespmem:$0x188] =	vst v0  }
0x1c: {  	[tilespmem:$0x198] =	vst v0  }
0x1d: {  	[tilespmem:$0x1A8] =	vst v0  }
0x1e: {  	[tilespmem:$0x1B8] =	vst v0  }
0x1f: {  	[tilespmem:$0x1C8] =	vst v0  }
0x20: {  	[tilespmem:$0x1D8] =	vst v0  }
0x21: {  	[tilespmem:$0x1E8] =	vst v0  }
0x22: {  	[tilespmem:$0x1F8] =	vst v0  }
0x23: {  	[tilespmem:$0x208] =	vst v0  }
0x24: {  	[tilespmem:$0x218] =	vst v0  }
0x25: {  	[tilespmem:$0x228] =	vst v0  }
0x26: {  	[tilespmem:$0x238] =	vst v0  }
0x27: {  	[tilespmem:$0x248] =	vst v0  }
0x28: {  	[tilespmem:$0x258] =	vst v0  }
0x29: {  	[tilespmem:$0x268] =	vst v0  }
0x2a: {  	[tilespmem:$0x278] =	vst v0  }
0x2b: {  	[tilespmem:$0x288] =	vst v0  }
0x2c: {  	[tilespmem:$0x298] =	vst v0  }
0x2d: {  	[tilespmem:$0x2A8] =	vst v0  }
0x2e: {  	[tilespmem:$0x2B8] =	vst v0  }
0x2f: {  	[tilespmem:$0x2C8] =	vst v0  }
0x30: {  	[tilespmem:$0x2D8] =	vst v0  }
0x31: {  	[tilespmem:$0x2E8] =	vst v0  }
0x32: {  	[tilespmem:$0x2F8] =	vst v0  }
0x33: {  	[tilespmem:$0x308] =	vst v0  }
0x34: {  	[tilespmem:$0x318] =	vst v0  }
0x35: {  	[tilespmem:$0x328] =	vst v0  }
0x36: {  	[tilespmem:$0x338] =	vst v0  }
0x37: {  	[tilespmem:$0x348] =	vst v0  }
0x38: {  	[tilespmem:$0x358] =	vst v0  }
0x39: {  	[tilespmem:$0x368] =	vst v0  }
0x3a: {  	[tilespmem:$0x378] =	vst v0  }
0x3b: {  	[tilespmem:$0x388] =	vst v0  }
0x3c: {  	[tilespmem:$0x398] =	vst v0  }
0x3d: {  	[tilespmem:$0x3A8] =	vst v0  }
0x3e: {  	[tilespmem:$0x3B8] =	vst v0  }
0x3f: {  	[tilespmem:$0x3C8] =	vst v0  }
0x40: {  	[tilespmem:$0x3D8] =	vst v0  }
0x41: {  	[tilespmem:$0x3E8] =	vst v0  }
0x42: {  	[tilespmem:$0x3F8] =	vst v0  }
0x43: {  	[tilespmem:$0x408] =	vst v0  }
0x44: {  	[tilespmem:$0x418] =	vst v0  }
0x45: {  	[tilespmem:$0x428] =	vst v0  }
0x46: {  	[tilespmem:$0x438] =	vst v0  }
0x47: {  	[tilespmem:$0x448] =	vst v0  }
0x48: {  	[tilespmem:$0x458] =	vst v0  }
0x49: {  	[tilespmem:$0x468] =	vst v0  }
0x4a: {  	[tilespmem:$0x478] =	vst v0  }
0x4b: {  	[tilespmem:$0x488] =	vst v0  }
0x4c: {  	[tilespmem:$0x498] =	vst v0  }
0x4d: {  	[tilespmem:$0x4A8] =	vst v0  }
0x4e: {  	[tilespmem:$0x4B8] =	vst v0  }
0x4f: {  	[tilespmem:$0x4C8] =	vst v0  }
0x50: {  	[tilespmem:$0x4D8] =	vst v0  }
0x51: {  	[tilespmem:$0x4E8] =	vst v0  }
0x52: {  	[tilespmem:$0x4F8] =	vst v0  }
0x53: {  	[tilespmem:$0x508] =	vst v0  }
0x54: {  	[tilespmem:$0x518] =	vst v0  }
0x55: {  	[tilespmem:$0x528] =	vst v0  }
0x56: {  	[tilespmem:$0x538] =	vst v0  }
0x57: {  	[tilespmem:$0x548] =	vst v0  }
0x58: {  	[tilespmem:$0x558] =	vst v0  }
0x59: {  	[tilespmem:$0x568] =	vst v0  }
0x5a: {  	[tilespmem:$0x578] =	vst v0  }
0x5b: {  	[tilespmem:$0x588] =	vst v0  }
0x5c: {  	[tilespmem:$0x598] =	vst v0  }
0x5d: {  	[tilespmem:$0x5A8] =	vst v0  }
0x5e: {  	[tilespmem:$0x5B8] =	vst v0  }
0x5f: {  	[tilespmem:$0x5C8] =	vst v0  }
0x60: {  	[tilespmem:$0x5D8] =	vst v0  }
0x61: {  	[tilespmem:$0x5E8] =	vst v0  }
0x62: {  	[tilespmem:$0x5F8] =	vst v0  }
0x63: {  	[tilespmem:$0x608] =	vst v0  }
0x64: {  	[tilespmem:$0x618] =	vst v0  }
0x65: {  	[tilespmem:$0x628] =	vst v0  }
0x66: {  	[tilespmem:$0x638] =	vst v0  }
0x67: {  	[tilespmem:$0x648] =	vst v0  }
0x68: {  	[tilespmem:$0x658] =	vst v0  }
0x69: {  	[tilespmem:$0x668] =	vst v0  }
0x6a: {  	[tilespmem:$0x678] =	vst v0  }
0x6b: {  	[tilespmem:$0x688] =	vst v0  }
0x6c: {  	[tilespmem:$0x698] =	vst v0  }
0x6d: {  	[tilespmem:$0x6A8] =	vst v0  }
0x6e: {  	[tilespmem:$0x6B8] =	vst v0  }
0x6f: {  	[tilespmem:$0x6C8] =	vst v0  }
0x70: {  	[tilespmem:$0x6D8] =	vst v0  }
0x71: {  	[tilespmem:$0x6E8] =	vst v0  }
0x72: {  	[tilespmem:$0x6F8] =	vst v0  }
0x73: {  	[tilespmem:$0x708] =	vst v0  }
0x74: {  	[tilespmem:$0x718] =	vst v0  }
0x75: {  	[tilespmem:$0x728] =	vst v0  }
0x76: {  	[tilespmem:$0x738] =	vst v0  }
0x77: {  	[tilespmem:$0x748] =	vst v0  }
0x78: {  	[tilespmem:$0x758] =	vst v0  }
0x79: {  	[tilespmem:$0x768] =	vst v0  }
0x7a: {  	[tilespmem:$0x778] =	vst v0  }
0x7b: {  	[tilespmem:$0x788] =	vst v0  }
0x7c: {  	[tilespmem:$0x798] =	vst v0  }
0x7d: {  	[tilespmem:$0x7A8] =	vst v0  }
0x7e: {  	[tilespmem:$0x7B8] =	vst v0  }
0x7f: {  	[tilespmem:$0x7C8] =	vst v0  }
0x80: {  	[tilespmem:$0x7D8] =	vst v0  }
0x81: {  	[tilespmem:$0x7E8] =	vst v0  }
0x82: {  	[tilespmem:$0x7F8] =	vst v0  }
0x83: {  	[tilespmem:$0x808] =	vst v0  }
0x84: {  	[tilespmem:$0x818] =	vst v0  }
0x85: {  	[tilespmem:$0x828] =	vst v0  }
0x86: {  	[tilespmem:$0x838] =	vst v0  }
0x87: {  	[tilespmem:$0x848] =	vst v0  }
0x88: {  	[tilespmem:$0x858] =	vst v0  }
0x89: {  	[tilespmem:$0x868] =	vst v0  }
0x8a: {  	[tilespmem:$0x878] =	vst v0  }
0x8b: {  	[tilespmem:$0x888] =	vst v0  }
0x8c: {  	[tilespmem:$0x898] =	vst v0  }
0x8d: {  	[tilespmem:$0x8A8] =	vst v0  }
0x8e: {  	[tilespmem:$0x8B8] =	vst v0  }
0x8f: {  	[tilespmem:$0x8C8] =	vst v0  }
0x90: {  	[tilespmem:$0x8D8] =	vst v0  }
0x91: {  	[tilespmem:$0x8E8] =	vst v0  }
0x92: {  	[tilespmem:$0x8F8] =	vst v0  }
0x93: {  	[tilespmem:$0x908] =	vst v0  }
0x94: {  	[tilespmem:$0x918] =	vst v0  }
0x95: {  	[tilespmem:$0x928] =	vst v0  }
0x96: {  	[tilespmem:$0x938] =	vst v0  }
0x97: {  	[tilespmem:$0x948] =	vst v0  }
0x98: {  	[tilespmem:$0x958] =	vst v0  }
0x99: {  	[tilespmem:$0x968] =	vst v0  }
0x9a: {  	[tilespmem:$0x978] =	vst v0  }
0x9b: {  	[tilespmem:$0x988] =	vst v0  }
0x9c: {  	[tilespmem:$0x998] =	vst v0  }
0x9d: {  	[tilespmem:$0x9A8] =	vst v0  }
0x9e: {  	[tilespmem:$0x9B8] =	vst v0  }
0x9f: {  	[tilespmem:$0x9C8] =	vst v0  }
0xa0: {  	[tilespmem:$0x9D8] =	vst v0  }
0xa1: {  	[tilespmem:$0x9E8] =	vst v0  }
0xa2: {  	[tilespmem:$0x9F8] =	vst v0  }
0xa3: {  	[tilespmem:$0xA08] =	vst v0  }
0xa4: {  	[tilespmem:$0xA18] =	vst v0  }
0xa5: {  	[tilespmem:$0xA28] =	vst v0  }
0xa6: {  	[tilespmem:$0xA38] =	vst v0  }
0xa7: {  	[tilespmem:$0xA48] =	vst v0  }
0xa8: {  	[tilespmem:$0xA58] =	vst v0  }
0xa9: {  	[tilespmem:$0xA68] =	vst v0  }
0xaa: {  	[tilespmem:$0xA78] =	vst v0  }
0xab: {  	[tilespmem:$0xA88] =	vst v0  }
0xac: {  	[tilespmem:$0xA98] =	vst v0  }
0xad: {  	[tilespmem:$0xAA8] =	vst v0  }
0xae: {  	[tilespmem:$0xAB8] =	vst v0  }
0xaf: {  	[tilespmem:$0xAC8] =	vst v0  }
0xb0: {  	[tilespmem:$0xAD8] =	vst v0  }
0xb1: {  	[tilespmem:$0xAE8] =	vst v0  }
0xb2: {  	[tilespmem:$0xAF8] =	vst v0  }
0xb3: {  	[tilespmem:$0xB08] =	vst v0  }
0xb4: {  	[tilespmem:$0xB18] =	vst v0  }
0xb5: {  	[tilespmem:$0xB28] =	vst v0  }
0xb6: {  	[tilespmem:$0xB38] =	vst v0  }
0xb7: {  	[tilespmem:$0xB48] =	vst v0  }
0xb8: {  	[tilespmem:$0xB58] =	vst v0  }
0xb9: {  	[tilespmem:$0xB68] =	vst v0  }
0xba: {  	[tilespmem:$0xB78] =	vst v0  }
0xbb: {  	[tilespmem:$0xB88] =	vst v0  }
0xbc: {  	[tilespmem:$0xB98] =	vst v0  }
0xbd: {  	[tilespmem:$0xBA8] =	vst v0  }
0xbe: {  	[tilespmem:$0xBB8] =	vst v0  }
0xbf: {  	[tilespmem:$0xBC8] =	vst v0  }
0xc0: {  	[tilespmem:$0xBD8] =	vst v0  }
0xc1: {  	[tilespmem:$0xBE8] =	vst v0  }
0xc2: {  	[tilespmem:$0xBF8] =	vst v0  }
0xc3: {  	[tilespmem:$0xC08] =	vst v0  }
0xc4: {  	[tilespmem:$0xC18] =	vst v0  }
0xc5: {  	[tilespmem:$0xC28] =	vst v0  }
0xc6: {  	[tilespmem:$0xC38] =	vst v0  }
0xc7: {  	[tilespmem:$0xC48] =	vst v0  }
0xc8: {  	[tilespmem:$0xC58] =	vst v0  }
0xc9: {  	[tilespmem:$0xC68] =	vst v0  }
0xca: {  	[tilespmem:$0xC78] =	vst v0  }
0xcb: {  	[tilespmem:$0xC88] =	vst v0  }
0xcc: {  	[tilespmem:$0xC98] =	vst v0  }
0xcd: {  	[tilespmem:$0xCA8] =	vst v0  }
0xce: {  	[tilespmem:$0xCB8] =	vst v0  }
0xcf: {  	[tilespmem:$0xCC8] =	vst v0  }
0xd0: {  	[tilespmem:$0xCD8] =	vst v0  }
0xd1: {  	[tilespmem:$0xCE8] =	vst v0  }
0xd2: {  	[tilespmem:$0xCF8] =	vst v0  }
0xd3: {  	[tilespmem:$0xD08] =	vst v0  }
0xd4: {  	[tilespmem:$0xD18] =	vst v0  }
0xd5: {  	[tilespmem:$0xD28] =	vst v0  }
0xd6: {  	[tilespmem:$0xD38] =	vst v0  }
0xd7: {  	[tilespmem:$0xD48] =	vst v0  }
0xd8: {  	[tilespmem:$0xD58] =	vst v0  }
0xd9: {  	[tilespmem:$0xD68] =	vst v0  }
0xda: {  	[tilespmem:$0xD78] =	vst v0  }
0xdb: {  	[tilespmem:$0xD88] =	vst v0  }
0xdc: {  	[tilespmem:$0xD98] =	vst v0  }
0xdd: {  	[tilespmem:$0xDA8] =	vst v0  }
0xde: {  	[tilespmem:$0xDB8] =	vst v0  }
0xdf: {  	[tilespmem:$0xDC8] =	vst v0  }
0xe0: {  	[tilespmem:$0xDD8] =	vst v0  }
0xe1: {  	[tilespmem:$0xDE8] =	vst v0  }
0xe2: {  	[tilespmem:$0xDF8] =	vst v0  }
0xe3: {  	[tilespmem:$0xE08] =	vst v0  }
0xe4: {  	[tilespmem:$0xE18] =	vst v0  }
0xe5: {  	[tilespmem:$0xE28] =	vst v0  }
0xe6: {  	[tilespmem:$0xE38] =	vst v0  }
0xe7: {  	[tilespmem:$0xE48] =	vst v0  }
0xe8: {  	[tilespmem:$0xE58] =	vst v0  }
0xe9: {  	[tilespmem:$0xE68] =	vst v0  }
0xea: {  	[tilespmem:$0xE78] =	vst v0  }
0xeb: {  	[tilespmem:$0xE88] =	vst v0  }
0xec: {  	[tilespmem:$0xE98] =	vst v0  }
0xed: {  	[tilespmem:$0xEA8] =	vst v0  }
0xee: {  	[tilespmem:$0xEB8] =	vst v0  }
0xef: {  	[tilespmem:$0xEC8] =	vst v0  }
0xf0: {  	[tilespmem:$0xED8] =	vst v0  }
0xf1: {  	[tilespmem:$0xEE8] =	vst v0  }
0xf2: {  	[tilespmem:$0xEF8] =	vst v0  }
0xf3: {  	[tilespmem:$0xF08] =	vst v0  }
0xf4: {  	[tilespmem:$0xF18] =	vst v0  }
0xf5: {  	[tilespmem:$0xF28] =	vst v0  }
0xf6: {  	[tilespmem:$0xF38] =	vst v0  }
0xf7: {  	[tilespmem:$0xF48] =	vst v0  }
0xf8: {  	[tilespmem:$0xF58] =	vst v0  }
0xf9: {  	[tilespmem:$0xF68] =	vst v0  }
0xfa: {  	[tilespmem:$0xF78] =	vst v0  }
0xfb: {  	[tilespmem:$0xF88] =	vst v0  }
0xfc: {  	[tilespmem:$0xF98] =	vst v0  }
0xfd: {  	[tilespmem:$0xFA8] =	vst v0  }
0xfe: {  	[tilespmem:$0xFB8] =	vst v0  }
0xff: {  	[tilespmem:$0xFC8] =	vst v0  }
0x100: {  	[tilespmem:$0xFD8] =	vst v0  }
0x101: {  	[tilespmem:$0xFE8] =	vst v0  }
0x102: {  	[tilespmem:$0xFF8] =	vst v0  }
0x103: {  	[tilespmem:$0x1028] =	vst v0  }
0x104: {  	[tilespmem:$0x10A8] =	vst v0  }
0x105: {  	[tilespmem:$0x1038] =	vst v0  }
0x106: {  	[tilespmem:$0x1B28] =	vst v0  }
0x107: {  	[tilespmem:$0x1B18] =	vst v0  }
0x108: {  	[tilespmem:$0x1B08] =	vst v0  }
0x109: {  	[tilespmem:$0x1AF8] =	vst v0  }
0x10a: {  	[tilespmem:$0x1AE8] =	vst v0  }
0x10b: {  	[tilespmem:$0x1AD8] =	vst v0  }
0x10c: {  	[tilespmem:$0x1AC8] =	vst v0  }
0x10d: {  	[tilespmem:$0x1AB8] =	vst v0  }
0x10e: {  	[tilespmem:$0x1AA8] =	vst v0  }
0x10f: {  	[tilespmem:$0x1A98] =	vst v0  }
0x110: {  	[tilespmem:$0x1A88] =	vst v0  }
0x111: {  	[tilespmem:$0x1A78] =	vst v0  }
0x112: {  	[tilespmem:$0x1A68] =	vst v0  }
0x113: {  	[tilespmem:$0x1A58] =	vst v0  }
0x114: {  	[tilespmem:$0x1A48] =	vst v0  }
0x115: {  	[tilespmem:$0x1A38] =	vst v0  }
0x116: {  	[tilespmem:$0x1A28] =	vst v0  }
0x117: {  	[tilespmem:$0x1A18] =	vst v0  }
0x118: {  	[tilespmem:$0x1A08] =	vst v0  }
0x119: {  	[tilespmem:$0x19F8] =	vst v0  }
0x11a: {  	[tilespmem:$0x19E8] =	vst v0  }
0x11b: {  	[tilespmem:$0x19D8] =	vst v0  }
0x11c: {  	[tilespmem:$0x19C8] =	vst v0  }
0x11d: {  	[tilespmem:$0x19B8] =	vst v0  }
0x11e: {  	[tilespmem:$0x19A8] =	vst v0  }
0x11f: {  	[tilespmem:$0x1998] =	vst v0  }
0x120: {  	[tilespmem:$0x1988] =	vst v0  }
0x121: {  	[tilespmem:$0x1978] =	vst v0  }
0x122: {  	[tilespmem:$0x1968] =	vst v0  }
0x123: {  	[tilespmem:$0x1958] =	vst v0  }
0x124: {  	[tilespmem:$0x1948] =	vst v0  }
0x125: {  	[tilespmem:$0x1938] =	vst v0  }
0x126: {  	[tilespmem:$0x1928] =	vst v0  }
0x127: {  	[tilespmem:$0x1918] =	vst v0  }
0x128: {  	[tilespmem:$0x1908] =	vst v0  }
0x129: {  	[tilespmem:$0x18F8] =	vst v0  }
0x12a: {  	[tilespmem:$0x18E8] =	vst v0  }
0x12b: {  	[tilespmem:$0x18D8] =	vst v0  }
0x12c: {  	[tilespmem:$0x18C8] =	vst v0  }
0x12d: {  	[tilespmem:$0x18B8] =	vst v0  }
0x12e: {  	[tilespmem:$0x18A8] =	vst v0  }
0x12f: {  	[tilespmem:$0x1898] =	vst v0  }
0x130: {  	[tilespmem:$0x1888] =	vst v0  }
0x131: {  	[tilespmem:$0x1878] =	vst v0  }
0x132: {  	[tilespmem:$0x1868] =	vst v0  }
0x133: {  	[tilespmem:$0x1858] =	vst v0  }
0x134: {  	[tilespmem:$0x1848] =	vst v0  }
0x135: {  	[tilespmem:$0x1838] =	vst v0  }
0x136: {  	[tilespmem:$0x1828] =	vst v0  }
0x137: {  	[tilespmem:$0x1818] =	vst v0  }
0x138: {  	[tilespmem:$0x1808] =	vst v0  }
0x139: {  	[tilespmem:$0x17F8] =	vst v0  }
0x13a: {  	[tilespmem:$0x17E8] =	vst v0  }
0x13b: {  	[tilespmem:$0x17D8] =	vst v0  }
0x13c: {  	[tilespmem:$0x17C8] =	vst v0  }
0x13d: {  	[tilespmem:$0x17B8] =	vst v0  }
0x13e: {  	[tilespmem:$0x17A8] =	vst v0  }
0x13f: {  	[tilespmem:$0x1798] =	vst v0  }
0x140: {  	[tilespmem:$0x1788] =	vst v0  }
0x141: {  	[tilespmem:$0x1778] =	vst v0  }
0x142: {  	[tilespmem:$0x1768] =	vst v0  }
0x143: {  	[tilespmem:$0x1758] =	vst v0  }
0x144: {  	[tilespmem:$0x1748] =	vst v0  }
0x145: {  	[tilespmem:$0x1738] =	vst v0  }
0x146: {  	[tilespmem:$0x1728] =	vst v0  }
0x147: {  	[tilespmem:$0x1718] =	vst v0  }
0x148: {  	[tilespmem:$0x1708] =	vst v0  }
0x149: {  	[tilespmem:$0x16F8] =	vst v0  }
0x14a: {  	[tilespmem:$0x16E8] =	vst v0  }
0x14b: {  	[tilespmem:$0x16D8] =	vst v0  }
0x14c: {  	[tilespmem:$0x16C8] =	vst v0  }
0x14d: {  	[tilespmem:$0x16B8] =	vst v0  }
0x14e: {  	[tilespmem:$0x16A8] =	vst v0  }
0x14f: {  	[tilespmem:$0x1698] =	vst v0  }
0x150: {  	[tilespmem:$0x1688] =	vst v0  }
0x151: {  	[tilespmem:$0x1678] =	vst v0  }
0x152: {  	[tilespmem:$0x1668] =	vst v0  }
0x153: {  	[tilespmem:$0x1658] =	vst v0  }
0x154: {  	[tilespmem:$0x1648] =	vst v0  }
0x155: {  	[tilespmem:$0x1638] =	vst v0  }
0x156: {  	[tilespmem:$0x1628] =	vst v0  }
0x157: {  	[tilespmem:$0x1618] =	vst v0  }
0x158: {  	[tilespmem:$0x1608] =	vst v0  }
0x159: {  	[tilespmem:$0x15F8] =	vst v0  }
0x15a: {  	[tilespmem:$0x15E8] =	vst v0  }
0x15b: {  	[tilespmem:$0x15D8] =	vst v0  }
0x15c: {  	[tilespmem:$0x15C8] =	vst v0  }
0x15d: {  	[tilespmem:$0x15B8] =	vst v0  }
0x15e: {  	[tilespmem:$0x15A8] =	vst v0  }
0x15f: {  	[tilespmem:$0x1598] =	vst v0  }
0x160: {  	[tilespmem:$0x1588] =	vst v0  }
0x161: {  	[tilespmem:$0x1578] =	vst v0  }
0x162: {  	[tilespmem:$0x1568] =	vst v0  }
0x163: {  	[tilespmem:$0x1558] =	vst v0  }
0x164: {  	[tilespmem:$0x1548] =	vst v0  }
0x165: {  	[tilespmem:$0x1538] =	vst v0  }
0x166: {  	[tilespmem:$0x1528] =	vst v0  }
0x167: {  	[tilespmem:$0x1518] =	vst v0  }
0x168: {  	[tilespmem:$0x1508] =	vst v0  }
0x169: {  	[tilespmem:$0x14F8] =	vst v0  }
0x16a: {  	[tilespmem:$0x14E8] =	vst v0  }
0x16b: {  	[tilespmem:$0x14D8] =	vst v0  }
0x16c: {  	[tilespmem:$0x14C8] =	vst v0  }
0x16d: {  	[tilespmem:$0x14B8] =	vst v0  }
0x16e: {  	[tilespmem:$0x14A8] =	vst v0  }
0x16f: {  	[tilespmem:$0x1498] =	vst v0  }
0x170: {  	[tilespmem:$0x1488] =	vst v0  }
0x171: {  	[tilespmem:$0x1478] =	vst v0  }
0x172: {  	[tilespmem:$0x1468] =	vst v0  }
0x173: {  	[tilespmem:$0x1458] =	vst v0  }
0x174: {  	[tilespmem:$0x1448] =	vst v0  }
0x175: {  	[tilespmem:$0x1438] =	vst v0  }
0x176: {  	[tilespmem:$0x1428] =	vst v0  }
0x177: {  	[tilespmem:$0x1418] =	vst v0  }
0x178: {  	[tilespmem:$0x1408] =	vst v0  }
0x179: {  	[tilespmem:$0x13F8] =	vst v0  }
0x17a: {  	[tilespmem:$0x13E8] =	vst v0  }
0x17b: {  	[tilespmem:$0x13D8] =	vst v0  }
0x17c: {  	[tilespmem:$0x13C8] =	vst v0  }
0x17d: {  	[tilespmem:$0x13B8] =	vst v0  }
0x17e: {  	[tilespmem:$0x13A8] =	vst v0  }
0x17f: {  	[tilespmem:$0x1398] =	vst v0  }
0x180: {  	[tilespmem:$0x1388] =	vst v0  }
0x181: {  	[tilespmem:$0x1378] =	vst v0  }
0x182: {  	[tilespmem:$0x1368] =	vst v0  }
0x183: {  	[tilespmem:$0x1358] =	vst v0  }
0x184: {  	[tilespmem:$0x1348] =	vst v0  }
0x185: {  	[tilespmem:$0x1338] =	vst v0  }
0x186: {  	[tilespmem:$0x1328] =	vst v0  }
0x187: {  	[tilespmem:$0x1318] =	vst v0  }
0x188: {  	[tilespmem:$0x1308] =	vst v0  }
0x189: {  	[tilespmem:$0x12F8] =	vst v0  }
0x18a: {  	[tilespmem:$0x12E8] =	vst v0  }
0x18b: {  	[tilespmem:$0x12D8] =	vst v0  }
0x18c: {  	[tilespmem:$0x12C8] =	vst v0  }
0x18d: {  	[tilespmem:$0x12B8] =	vst v0  }
0x18e: {  	[tilespmem:$0x12A8] =	vst v0  }
0x18f: {  	[tilespmem:$0x1298] =	vst v0  }
0x190: {  	[tilespmem:$0x1288] =	vst v0  }
0x191: {  	[tilespmem:$0x1278] =	vst v0  }
0x192: {  	[tilespmem:$0x1268] =	vst v0  }
0x193: {  	[tilespmem:$0x1258] =	vst v0  }
0x194: {  	[tilespmem:$0x1248] =	vst v0  }
0x195: {  	[tilespmem:$0x1238] =	vst v0  }
0x196: {  	[tilespmem:$0x1228] =	vst v0  }
0x197: {  	[tilespmem:$0x1218] =	vst v0  }
0x198: {  	[tilespmem:$0x1208] =	vst v0  }
0x199: {  	[tilespmem:$0x11F8] =	vst v0  }
0x19a: {  	[tilespmem:$0x11E8] =	vst v0  }
0x19b: {  	[tilespmem:$0x11D8] =	vst v0  }
0x19c: {  	[tilespmem:$0x11C8] =	vst v0  }
0x19d: {  	[tilespmem:$0x11B8] =	vst v0  }
0x19e: {  	[tilespmem:$0x11A8] =	vst v0  }
0x19f: {  	[tilespmem:$0x1198] =	vst v0  }
0x1a0: {  	[tilespmem:$0x1188] =	vst v0  }
0x1a1: {  	[tilespmem:$0x1178] =	vst v0  }
0x1a2: {  	[tilespmem:$0x1168] =	vst v0  }
0x1a3: {  	[tilespmem:$0x1158] =	vst v0  }
0x1a4: {  	[tilespmem:$0x1148] =	vst v0  }
0x1a5: {  	[tilespmem:$0x1138] =	vst v0  }
0x1a6: {  	[tilespmem:$0x1128] =	vst v0  }
0x1a7: {  	[tilespmem:$0x1118] =	vst v0  }
0x1a8: {  	[tilespmem:$0x1108] =	vst v0  }
0x1a9: {  	[tilespmem:$0x10F8] =	vst v0  }
0x1aa: {  	[tilespmem:$0x10E8] =	vst v0  }
0x1ab: {  	[tilespmem:$0x10D8] =	vst v0  }
0x1ac: {  	s4 =	stileid.u32;
	[tilespmem:$0x10C8] =	vst v0  }
0x1ad: {  	s0 =	simm.s32 $0x26D0;
	s6 =	smul.u32 $0x2880, s4;
	p0 =	seq.s32 s4, $0xF;
	[tilespmem:$0x10B8] =	vst v0  }
0x1ae: {  	s0 =	simm.s32 @!p0 $0x2880;
	[tilespmem:$0x1048] =	vst v0  }
0x1af: {  	s3 =	simm.s32 $0x2;
	s8 =	simm.s32 $0x9;
	[tilespmem:$0x1098] =	vst v0;
	s0 =	sadd.s32 s6, s0  }
0x1b0: {  	s10 =	simm.s32 $0xA;
	s30 =	simm.s32 $0xB;
	[tilespmem:$0x1088] =	vst v0;
	s7 =	smin.u32 s0, $0x28500  }
0x1b1: {  	s16 =	simm.s32 $0x0;
	p4 =	por $0x0, $0x0;
	[tilespmem:$0x1078] =	vst v0;
	s0 =	ssub.s32 s7, s6  }
0x1b2: {  	s17 =	simm.s32 $0xC;
	s21 =	simm.s32 $0x0;
	[tilespmem:$0x1068] =	vst v0;
	p0 =	sgt.s32 s0, $0x0  }
0x1b3: {  	s18 =	simm.s32 $0x0;
	s20 =	simm.s32 $0x0;
	[tilespmem:$0x1058] =	vst v0;
	s0 =	simm.s32 @!p0 $0x0  }
0x1b4: {  	s2 =	sand.u32 $0x1, s1;
	s31 =	sshll.u32 s4, $0x5;
	[tilespmem:$0x1018] =	vst v0;
	s29 =	smulhi.u32 $0x97B426, s0  }
0x1b5: {  	[dreg:$0x6] =	wrdreg s2;
	s2 =	smul.u32 $0x50A0, s2;
	[tilespmem:$0x1008] =	vst v0;
	[sflag:s3] =	ssyncpa.u1 $0x0  }
0x1b6: {  	v0 =	vimm.s32 $0xFFFFFFFF;
	s3 =	sadd.s32 $0x1C2E00, s11;
	[dreg:$0x5] =	wrdreg s31;
	s5 =	smul.u32 $0x1B0, s29  }
.Ltmp0:
0x1b7: {  	[tilespmem:$0x3648] =	vst v0;
	[sflag:s8] =	ssyncpa.u1 $0x0;
	s19 =	smov.u32 s6;
	(pc) =	sbr.rel .LBB2_1-.Ltmp0, $4  }
0x1b8: {  	[dreg:$0x7] =	wrdreg s6;
	s14 =	sadd.s32 s2, s11;
	p0 =	sne.s32 s0, s5  }
0x1b9: {  	[sflag:s10] =	ssyncpa.u1 $0x0;
	s11 =	sadd.s32 $0xBD6E00, s11;
	s12 =	simm.s32 @!p0 $0x0  }
0x1ba: {  	s8 =	sadd.s32 s2, s13;
	[sflag:s30] =	ssyncpa.u1 $0x0;
	s12 =	sadd.s32 s12, s29  }
0x1bb: {  	v0 =	vlaneseq.u32;
	s15 =	sadd.s32 $0x1EA00, s14;
	p0 =	por $0x1, $0x1;
	s4 =	sadd.s32 $0x1, s12  }
.LBB2_18:
0x1bc: {  	s0 =	simm.s32 $0x2  }
0x1bd: {  	_ =	swait.ge [sflag:s0], $0x0  }
0x1be: {  	[sflag:s0] =	ssyncset.done $0x0;
	s0 =	simm.s32 $0x0  }
.LBB2_19:
0x1bf: {  	_ =	swait.ge [sflag:s17], s0  }
0x1c0: {  	s31 =	ssub.s32 $0x0, s0;
	v1 =	vmov s23;
	vm0 =	veq.s32 v0, $0x0;
	[sflag:s17] =	ssyncset.done $0x0  }
0x1c1: {  	vm15 =	veq.s32 v0, $0x2;
	v1 =	vsel vm0, s28, v1;
	[sflag:s17] =	ssyncadd.s32 s31  }
0x1c2: {  	v1 =	vsel vm15, s21, v1;
	[sflag:s17] =	ssyncpa.u1 $0x1  }
0x1c3: {  	[tilespmem:$0x3648] =	vst v1  }
.LBB2_20:
0x1c4: {  	s0 =	sadd.s32 $0x1B0, s19  }
0x1c5: {  	s1 =	smov.u32 s6;
	p1 =	slt.s32 s0, s7  }
0x1c6: {  	s1 =	smov.u32 @p1 s0;
	p1 =	sne.s32 s20, s4  }
.Ltmp1:
0x1c7: {  	_ = 	snop;
	(pc) =	sbr.rel @!p1 .LBB2_21-.Ltmp1, $4  }
0x1c8: {  	_ = 	snop  }
0x1c9: {  	s21 =	smov.u32 s18  }
0x1ca: {  	s31 =	sadd.s32 $0x1, s20;
	s18 =	smov.u32 s19;
	p0 =	por !p0, !p0  }
0x1cb: {  	p4 =	por !p4, !p4;
	s20 =	smov.u32 s31;
	s19 =	smov.u32 s1  }
.LBB2_1:
0x1cc: {  	p2 =	sge.u32 s20, s12  }
0x1cd: {  	s0 =	smulhi.u32 @!p2 $0xAAAAAAAB, s20  }
0x1ce: {  	s1 =	smov.u32 s19;
	p3 =	sgt.s32 @!p2 s19, $0x28350  }
0x1cf: {  	s2 =	sshra.s32 @!p2 s19, $0x1F;
	p3 =	por !p3, p2;
	s0 =	sshrl.u32 @!p2 s0, $0x1  }
0x1d0: {  	s2 =	sand.u32 @!p2 s2, s19;
	s1 =	simm.s32 @p3 $0x28350;
	s0 =	smul.u32 @!p2 $0x3, s0  }
0x1d1: {  	s1 =	ssub.s32 @!p2 s1, s2  }
0x1d2: {  	s23 =	sadd.s32 $0xFFFFFFFF, s20;
	s1 =	sadd.s32 @!p2 $0xFFFD7CB0, s1;
	s0 =	ssub.s32 @!p2 s20, s0  }
0x1d3: {  	s2 =	sshll.u32 @!p2 s1, $0x2;
	p3 =	sgt.s32 @!p2 s1, $0x1AF;
	s0 =	smul.u32 @!p2 $0x6C0, s0  }
0x1d4: {  	s5 =	sand.u32 @!p2 $0x7, s19;
	s1 =	ssub.s32 @!p2 $0x6C0, s2;
	p3 =	por !p3, p2  }
0x1d5: {  	s2 =	sshrl.u32 @!p2 s19, $0x3;
	s1 =	sshrl.u32 @!p2 s1, $0x2;
	s0 =	sshrl.u32 @!p2 s0, $0x2  }
0x1d6: {  	s2 =	sadd.s32 @!p2 s2, s8;
	s1 =	simm.s32 @!p3 $0x0;
	s0 =	sadd.s32 @!p2 $0x3888, s0  }
0x1d7: {  	[tilespmem:s0], [sflag:$0xA] =	stream.linear.gather @!p2 [hbm4b:s2+s5], s1, $0x38;
	[tilespmem:$0x1F0F8] =	vst v63  }
0x1d8: {  	p2 =	sge.u32 s23, s12  }
0x1d9: {  	p3 =	sgt.s32 @!p2 s18, $0x28350  }
0x1da: {  	s0 =	smov.u32 s18;
	s1 =	sshra.s32 @!p2 s18, $0x1F;
	p3 =	por !p3, p2  }
0x1db: {  	s1 =	sand.u32 @!p2 s1, s18;
	s0 =	simm.s32 @p3 $0x28350  }
0x1dc: {  	s0 =	ssub.s32 @!p2 s0, s1  }
0x1dd: {  	s0 =	sadd.s32 @!p2 $0xFFFD7CB0, s0  }
0x1de: {  	s1 =	sshll.u32 @!p2 s0, $0x2  }
0x1df: {  	p3 =	sgt.s32 @!p2 s0, $0x1AF;
	s0 =	ssub.s32 @!p2 $0x6C0, s1  }
0x1e0: {  	s22 =	ssub.s32 @!p2 $0x28500, s18;
	p3 =	por !p3, p2;
	s0 =	sshrl.u32 @!p2 s0, $0x2  }
0x1e1: {  	s1 =	sand.u32 @!p2 $0x1, s23;
	s0 =	simm.s32 @!p3 $0x0;
	p3 =	slt.s32 @!p2 s22, $0x1  }
0x1e2: {  	s2 =	simm.s32 @!p2 $0xA;
	s1 =	smul.u32 @!p2 $0x6C0, s1;
	p3 =	por p2, p3  }
.Ltmp2:
0x1e3: {  	_ =	swait.ge @!p2 [sflag:s2], s0;
	(pc) =	sbr.rel @p3 .LBB2_7-.Ltmp2, $4  }
0x1e4: {  	s5 =	ssub.s32 @!p2 $0x0, s0;
	[sflag:s2] =	ssyncset.done @!p2 $0x0  }
0x1e5: {  	s1 =	sshrl.u32 @!p2 s1, $0x2;
	[sflag:s2] =	ssyncadd.s32 @!p2 s5;
	s2 =	sshrl.u32 @!p2 s18, $0x3  }
0x1e6: {  	s1 =	sadd.s32 @!p2 $0x3D98, s1;
	s5 =	sand.u32 @!p2 $0x7, s18;
	s2 =	sadd.s32 @!p2 s2, s15  }
0x1e7: {  	[tilespmem:s1], [sflag:$0xB] =	stream.linear.gather @!p2 [hbm4b:s2+s5], s0, $0x38;
	[tilespmem:$0x1F0F8] =	vst v63  }
0x1e8: {  	s0 =	smulhi.u32 $0xAAAAAAAB, s23;
	_ =	sdelay $0x1  }
0x1e9: {  	s0 =	sshrl.u32 s0, $0x1  }
0x1ea: {  	s0 =	smul.u32 $0x3, s0;
	_ =	sdelay $0x1  }
0x1eb: {  	s0 =	ssub.s32 s23, s0  }
0x1ec: {  	s1 =	simm.s32 $0x1;
	s0 =	smul.u32 $0x6C0, s0  }
.Ltmp3:
0x1ed: {  	s1 =	simm.s32 @!p0 $0x0;
	(pc) =	sbr.rel .LBB2_4-.Ltmp3, $4  }
0x1ee: {  	s1 =	smul.u32 $0x36000, s1  }
0x1ef: {  	p3 =	slt.s32 @!p2 s22, $0x1B0;
	s0 =	sshrl.u32 s0, $0x2  }
0x1f0: {  	p2 =	por !p3, p2;
	s1 =	sshrl.u32 s1, $0x2;
	s0 =	sadd.s32 $0x3888, s0  }
0x1f1: {  	s24 =	simm.s32 $0x0;
	s22 =	simm.s32 @p2 $0x1B0;
	s23 =	sadd.s32 $0x40F8, s1;
	v1 =	vmov s0  }
.LBB2_3:
0x1f2: {  	p2 =	sge.s32 s24, s22  }
.Ltmp4:
0x1f3: {  	_ = 	snop;
	(pc) =	sbr.rel @p2 .LBB2_7-.Ltmp4, $2  }
0x1f4: {  	_ =	sdelay $0x2  }
0x1f5: {  	s23 =	sadd.s32 $0x800, s23  }
.LBB2_4:
0x1f6: {  	p2 =	sle.s32 s22, s24  }
.Ltmp5:
0x1f7: {  	_ = 	snop;
	(pc) =	sbr.rel @p2 .LBB2_3-.Ltmp5, $2  }
0x1f8: {  	_ =	sdelay $0x2  }
0x1f9: {  	s0 =	smov.u32 s24;
	s24 =	sadd.s32 $0x10, s24  }
0x1fa: {  	s1 =	ssub.s32 s22, s0  }
0x1fb: {  	p2 =	slt.s32 s1, $0x10  }
0x1fc: {  	s1 =	simm.s32 @!p2 $0x10  }
0x1fd: {  	v2 =	vmov s1  }
0x1fe: {  	vm0 =	vgt.s32 v2, v0;
	_ =	sdelay $0x5  }
0x1ff: {  	v2 =	vld.idx.msk [tilespmem:v1+s0+$0x0 ss:$0x1], vm0;
	_ =	sdelay $0x2  }
0x200: {  	p2 =	slt.s32 s24, s22;
	s1 =	smov.u32 s22  }
0x201: {  	s2 =	smov.u32 s23;
	s25 =	simm.s32 $0x0;
	s1 =	smov.u32 @p2 s24  }
.LBB2_6:
0x202: {  	(v2sf) =	vpush v2, s25;
	_ =	sdelay $0xc  }
0x203: {  	s25 =	sadd.s32 $0x1, s25  }
0x204: {  	s31 =	sadd.s32 s25, s0  }
0x205: {  	p2 =	slt.s32 s31, s1;
	s5 =	spop (v2sf)  }
.Ltmp6:
0x206: {  	s5 =	sshll.u32 s5, $0x4;
	(pc) =	sbr.rel @p2 .LBB2_6-.Ltmp6, $4  }
0x207: {  	s5 =	sand.u32 $0x1FFFFFF0, s5  }
0x208: {  	s5 =	sadd.s32 s11, s5  }
0x209: {  	[tilespmem:s2], [sflag:$0x9] =	stream.linear.gather [hbm4b:s5+s16], $0x10, $0x38;
	[tilespmem:$0x1F0F8] =	vst v63  }
0x20a: {  	s2 =	sadd.s32 $0x80, s2  }
.Ltmp7:
0x20b: {  	_ = 	snop;
	(pc) =	sbr.rel .LBB2_3-.Ltmp7, $1  }
0x20c: {  	_ =	sdelay $0x3  }
.LBB2_7:
0x20d: {  	p2 =	slt.u32 s20, $0x2  }
.Ltmp8:
0x20e: {  	_ = 	snop;
	(pc) =	sbr.rel @p2 .LBB2_20-.Ltmp8, $1  }
0x20f: {  	_ =	sdelay $0x3  }
0x210: {  	p2 =	sgt.s32 s21, $0x28350  }
0x211: {  	s0 =	smov.u32 s21;
	s1 =	sshra.s32 s21, $0x1F;
	s2 =	ssub.s32 $0x28500, s21  }
0x212: {  	s0 =	simm.s32 @!p2 $0x28350;
	s1 =	sand.u32 s1, s21;
	p2 =	slt.s32 s2, $0x1B0  }
0x213: {  	s0 =	ssub.s32 s0, s1;
	s2 =	simm.s32 @!p2 $0x1B0  }
0x214: {  	s0 =	sadd.s32 $0xFFFD7CB0, s0;
	s24 =	sshll.u32 s2, $0x4  }
0x215: {  	s28 =	simm.s32 $0x9;
	s25 =	sshll.u32 s0, $0x2;
	s1 =	sand.u32 $0x3FFFFFF0, s24  }
0x216: {  	p2 =	sgt.s32 s0, $0x1AF;
	s26 =	ssub.s32 $0x6C0, s25;
	_ =	swait.ge [sflag:s28], s1  }
0x217: {  	s1 =	ssub.s32 $0x0, s1;
	[sflag:s28] =	ssyncset.done $0x0;
	s0 =	sshrl.u32 s26, $0x2  }
0x218: {  	s30 =	simm.s32 $0xB;
	[sflag:s28] =	ssyncadd.s32 s1;
	s0 =	simm.s32 @p2 $0x0  }
0x219: {  	_ =	swait.ge [sflag:s30], s0  }
0x21a: {  	s0 =	ssub.s32 $0x0, s0;
	[sflag:s30] =	ssyncset.done $0x0  }
0x21b: {  	[sflag:s30] =	ssyncadd.s32 s0  }
0x21c: {  	v1 =	vld [tilespmem:$0x3648];
	_ =	sdelay $0x4  }
0x21d: {  	(v2sf) =	vpush v1, $0x0  }
0x21e: {  	(v2sf) =	vpush v1, $0x1  }
0x21f: {  	(v2sf) =	vpush v1, $0x2;
	_ =	sdelay $0x3  }
0x220: {  	s0 =	sadd.s32 $0x1B0, s21  }
0x221: {  	s1 =	ssub.s32 $0x50A00, s21;
	p2 =	slt.s32 s7, s0  }
0x222: {  	s0 =	smov.u32 @p2 s7;
	p2 =	sgt.s32 s1, $0x0  }
0x223: {  	s25 =	ssub.s32 s0, s21;
	s1 =	simm.s32 @!p2 $0x0  }
0x224: {  	p2 =	slt.s32 s1, s25  }
0x225: {  	s25 =	smov.u32 @p2 s1  }
0x226: {  	s24 =	simm.s32 $0x1;
	p2 =	slt.s32 s25, $0x1  }
.Ltmp9:
0x227: {  	s24 =	simm.s32 @!p4 $0x0;
	(pc) =	sbr.rel @p2 .LBB2_12-.Ltmp9, $4  }
0x228: {  	s31 =	smul.u32 $0x6C0, s24  }
0x229: {  	s26 =	spop (v2sf)  }
0x22a: {  	s0 =	sshrl.u32 s31, $0x2;
	s29 =	spop (v2sf)  }
0x22b: {  	s22 =	sadd.s32 $0x3D98, s0;
	s21 =	spop (v2sf)  }
0x22c: {  	s0 =	smin.u32 s25, $0x10  }
0x22d: {  	v1 =	vmov s0  }
0x22e: {  	p3 =	sgt.s32 s25, $0x10;
	vm1 =	vgt.u32 v1, v0  }
.Ltmp10:
0x22f: {  	_ = 	snop;
	(pc) =	sbr.rel @!p3 .LBB2_11-.Ltmp10, $2  }
0x230: {  	_ =	sdelay $0x2  }
0x231: {  	s23 =	simm.s32 $0x10;
	s28 =	sadd.s32 $0xFFFFFFF0, s25;
	s0 =	smov.u32 s22;
	vm0 =	vmmov vm1  }
.LBB2_10:
0x232: {  	s1 =	smin.u32 s28, $0x10;
	s23 =	sadd.s32 $0x10, s23;
	v1 =	vld.msk [tilespmem:s0+$0x0 ss:$0x1], vm1  }
0x233: {  	v2 =	vmov s1;
	p3 =	slt.s32 s23, s25  }
0x234: {  	vm1 =	vgt.u32 v2, v0  }
.Ltmp11:
0x235: {  	(pc) =	sbr.rel @p3 .LBB2_10-.Ltmp11, $3  }
0x236: {  	_ =	sdelay $0x1  }
0x237: {  	v1 =	vshll.u32 v1, $0x4  }
0x238: {  	s28 =	sadd.s32 $0xFFFFFFF0, s28;
	[tilespmem:s0+$0x0] =	vst.msk vm0, v1;
	s0 =	sadd.s32 $0x10, s0;
	vm0 =	vmmov vm1  }
.LBB2_11:
0x239: {  	_ =	sdelay $0x4  }
0x23a: {  	v1 =	vld.msk [tilespmem:s0+$0x0 ss:$0x1], vm1;
	_ =	sdelay $0x4  }
0x23b: {  	v1 =	vshll.u32 v1, $0x4  }
0x23c: {  	[tilespmem:s0+$0x0] =	vst.msk vm0, v1  }
.LBB2_12:
0x23d: {  	s0 =	sand.u32 $0x1, s20  }
0x23e: {  	s0 =	smul.u32 $0x1B0, s0  }
0x23f: {  	p3 =	sne.s32 s29, $0xFFFFFFFF  }
0x240: {  	v1 =	vld.msk @!p3 [tilespmem:s0+$0x3D98], $0x1;
	_ =	sdelay $0x4  }
0x241: {  	(v2sf) =	vpush @!p3 v1, $0x0;
	_ =	sdelay $0xc  }
.Ltmp12:
0x242: {  	_ = 	snop;
	(pc) =	sbr.rel @p2 .LBB2_18-.Ltmp12, $4  }
0x243: {  	_ = 	snop  }
0x244: {  	s28 =	spop @!p3 (v2sf)  }
0x245: {  	s21 =	simm.s32 @!p3 $0x0;
	s23 =	smov.u32 s28  }
0x246: {  	[sflag:s17] =	ssyncpa.u1 $0x0;
	s28 =	smov.u32 @p3 s26;
	s23 =	smov.u32 @p3 s29  }
0x247: {  	v1 =	vld.msk [tilespmem:s22+$0x0], $0x1;
	_ =	sdelay $0x4  }
0x248: {  	(v2sf) =	vpush v1, $0x0;
	_ =	sdelay $0xe  }
0x249: {  	s0 =	simm.s32 @!p4 $0x0;
	s26 =	smul.u32 $0x36000, s24;
	s31 =	spop (v2sf)  }
0x24a: {  	s29 =	ssub.s32 $0x0, s25;
	s0 =	simm.s32 @p4 $0x1;
	p2 =	seq.s32 s28, s31  }
0x24b: {  	s1 =	smov.u32 s28;
	[smem:$0x7FD] =	sst s0;
	p3 =	sgt.s32 @!p2 s28, $0x0  }
0x24c: {  	s0 =	sshrl.u32 s26, $0x2;
	s26 =	sadd.s32 $0x1, s29;
	p3 =	por !p3, p2  }
0x24d: {  	s1 =	simm.s32 @p3 $0x0;
	p3 =	seq.s32 s26, $0x0  }
.Ltmp13:
0x24e: {  	_ = 	snop;
	(pc) =	sbr.rel @p3 .LBB2_15-.Ltmp13, $4  }
0x24f: {  	s6 =	smov.u32 s4;
	s14 =	smov.u32 s8;
	s25 =	simm.s32 $0x0  }
0x250: {  	s24 =	sadd.s32 $0x40F8, s0;
	s0 =	simm.s32 @!p2 $0x1;
	s2 =	smin.u32 @!p2 s1, $0x2717E  }
0x251: {  	s30 =	sadd.s32 $0x1, s22;
	s0 =	smov.u32 @p2 s25;
	s5 =	sand.u32 @!p2 $0x3FFF8, s2  }
0x252: {  	s1 =	simm.s32 @!p2 $0x1B38;
	s2 =	sand.u32 @!p2 $0x7, s2;
	s5 =	sadd.s32 @!p2 s3, s5  }
.LBB2_14:
0x253: {  	s4 =	smov.u32 s0  }
0x254: {  	[tilespmem:s1], [sflag:$0x2] =	stream.linear.gather @!p2 [hbm4b:s5+s2], $0x10, $0x38;
	[tilespmem:$0x1F0F8] =	vst v63  }
0x255: {  	s26 =	sadd.s32 $0x1, s26;
	s2 =	smov.u32 s31;
	v1 =	vld.msk [tilespmem:s30+$0x0], $0x1  }
0x256: {  	p3 =	seq.s32 s26, $0x0;
	_ =	sdelay $0x3  }
0x257: {  	(v2sf) =	vpush v1, $0x0;
	_ =	sdelay $0xe  }
0x258: {  	s31 =	spop (v2sf)  }
0x259: {  	p2 =	seq.s32 s2, s31  }
0x25a: {  	p4 =	sgt.s32 @!p2 s2, $0x0;
	s1 =	sshll.u32 @!p2 s0, $0x6;
	s0 =	sadd.s32 @!p2 $0x1, s0  }
.Ltmp14:
0x25b: {  	p4 =	por !p4, p2;
	s1 =	sshra.s32 @!p2 s1, $0x2;
	(pc) =	sbr.rel @!p3 .LBB2_14-.Ltmp14, $4  }
0x25c: {  	s0 =	smov.u32 @p2 s4;
	s2 =	simm.s32 @p4 $0x0;
	s1 =	sadd.s32 @!p2 $0x1B38, s1  }
0x25d: {  	s2 =	smin.u32 @!p2 s2, $0x2717E  }
0x25e: {  	s4 =	sand.u32 @!p2 $0x3FFF8, s2;
	s2 =	sand.u32 @!p2 $0x7, s2  }
0x25f: {  	s30 =	sadd.s32 $0x1, s30;
	s5 =	sadd.s32 @!p2 s3, s4  }
.LBB2_15:
0x260: {  	[tilespmem:s1], [sflag:$0x2] =	stream.linear.gather @!p2 [hbm4b:s5+s2], $0x10, $0x38;
	[tilespmem:$0x1F0F8] =	vst v63  }
0x261: {  	s0 =	sshll.u32 s0, $0x4  }
0x262: {  	s31 =	simm.s32 $0x2;
	s0 =	sand.u32 $0x3FFFFFF0, s0  }
0x263: {  	_ =	swait.ge [sflag:s31], s0  }
0x264: {  	s0 =	ssub.s32 $0x0, s0;
	[sflag:s31] =	ssyncset.done $0x0  }
0x265: {  	[sflag:s31] =	ssyncadd.s32 s0  }
0x266: {  	v1 =	vld.msk [tilespmem:s22+$0x0], $0x1;
	_ =	sdelay $0x4  }
0x267: {  	(v2sf) =	vpush v1, $0x0;
	_ =	sdelay $0xe  }
0x268: {  	s26 =	spop (v2sf)  }
0x269: {  	p2 =	sne.s32 s28, s26  }
0x26a: {  	p4 =	sne.s32 @p2 s28, s23  }
0x26b: {  	p3 =	por !p4, !p2  }
0x26c: {  	s0 =	simm.s32 @!p3 $0x0  }
0x26d: {  	v1 =	vld @!p3 [tilespmem:s0+$0x1B38]  }
0x26e: {  	p5 =	sgt.u32 @!p3 s28, $0x2717E  }
0x26f: {  	s1 =	sshll.u32 @!p3 s21, $0x6;
	p6 =	por @p2 p5, !p4  }
0x270: {  	s1 =	sshra.s32 @!p3 s1, $0x2;
	p1 =	por p6, !p2;
	p6 =	por p4, !p2  }
0x271: {  	s2 =	sadd.s32 @!p3 $0x28, s1;
	s4 =	sand.u32 @!p1 $0x3FFF8, s28;
	s5 =	sshll.u32 @!p6 s21, $0x6  }
0x272: {  	s28 =	sand.u32 @!p1 $0x7, s28;
	[tilespmem:s1+$0x28] =	vst.add.f32.msk @!p3 $0xffff, v1;
	s1 =	sadd.s32 @!p1 s3, s4;
	s4 =	sshra.s32 @!p6 s5, $0x2  }
0x273: {  	[hbm4b:s1+s28] =	stream.linear.scatter @!p1 [tilespmem:s2], [sflag:$0xC], $0x10, $0x38;
	[tilespmem:$0x1F0F8] =	vst v63  }
0x274: {  	s0 =	rddreg [dreg:$0x5];
	s1 =	sadd.s32 @!p6 $0x28, s4;
	s2 =	simm.s32 @!p6 $0x1  }
0x275: {  	[spmem:s0] =	stream.linear.scatter @!p6 [tilespmem:s1], [sflag:$0x1], $0x10, $0x38;
	[tilespmem:$0x1F0F8] =	vst v63  }
0x276: {  	s0 =	sadd.s32 @p2 $0x1, s21;
	_ =	swait.ge @!p6 [sflag:s2], $0x10  }
0x277: {  	s1 =	sshrl.u32 @p2 s0, $0x4;
	[sflag:s2] =	ssyncset.done @!p6 $0x0  }
0x278: {  	s1 =	smulhi.u32 @p2 $0x97B425F, s1;
	[sflag:s2] =	ssyncadd.s32 @!p6 $0xFFFFFFF0  }
0x279: {  	s28 =	sadd.s32 $0x1, s29;
	v1 =	vld @p2 [tilespmem:s24+$0x0]  }
0x27a: {  	p1 =	por @p2 !p5, !p4;
	p4 =	seq.s32 s28, $0x0;
	s1 =	smul.u32 @p2 $0x1B0, s1  }
.Ltmp15:
0x27b: {  	p1 =	por !p1, !p2;
	s2 =	simm.s32 @!p3 $0x0;
	(pc) =	sbr.rel @p4 .LBB2_17-.Ltmp15, $4  }
0x27c: {  	s4 =	sshll.u32 @!p2 s21, $0x6;
	s2 =	simm.s32 @!p1 $0x40;
	s0 =	ssub.s32 @p2 s0, s1  }
0x27d: {  	s29 =	simm.s32 $0x0;
	s2 =	sadd.s32 @!p3 $0x0, s2;
	s5 =	sshll.u32 @p2 s0, $0x4  }
0x27e: {  	s30 =	sshra.s32 @!p2 s4, $0x2;
	s1 =	simm.s32 @p2 $0x1;
	s2 =	smov.u32 @p3 s25;
	[tilespmem:s5+$0x28] =	vst @p2 v1  }
0x27f: {  	s21 =	smov.u32 @p2 s0;
	s29 =	smov.u32 @p2 s2;
	s25 =	smov.u32 @p2 s1;
	v1 =	vld @!p2 [tilespmem:s24+$0x0]  }
.LBB2_16:
0x280: {  	_ =	sdelay $0x3  }
0x281: {  	s22 =	sadd.s32 $0x1, s22;
	[tilespmem:s30+$0x28] =	vst.add.f32.msk @!p2 $0xffff, v1  }
0x282: {  	v1 =	vld.msk [tilespmem:s22+$0x0], $0x1;
	_ =	sdelay $0x4  }
0x283: {  	(v2sf) =	vpush v1, $0x0;
	_ =	sdelay $0xe  }
0x284: {  	s0 =	smov.u32 s26;
	s26 =	spop (v2sf)  }
0x285: {  	p2 =	sne.s32 s0, s26  }
0x286: {  	p5 =	sne.s32 @p2 s0, s23  }
0x287: {  	s4 =	sshll.u32 @!p2 s21, $0x6;
	p4 =	por !p5, !p2  }
0x288: {  	s30 =	sshra.s32 @!p2 s4, $0x2;
	s4 =	sshll.u32 @!p4 s25, $0x6  }
0x289: {  	s4 =	sshra.s32 @!p4 s4, $0x2  }
0x28a: {  	p1 =	sgt.u32 @!p4 s0, $0x2717E;
	v1 =	vld @!p4 [tilespmem:s4+$0x1B38]  }
0x28b: {  	s31 =	sshll.u32 @!p4 s21, $0x6;
	p6 =	por @p2 p1, !p5;
	p1 =	por @p2 !p1, !p5  }
0x28c: {  	s8 =	simm.s32 @!p4 $0x0;
	s31 =	sshra.s32 @!p4 s31, $0x2;
	p1 =	por !p1, !p2  }
0x28d: {  	p5 =	por p5, !p2;
	s8 =	simm.s32 @!p1 $0x40;
	p1 =	por p6, !p2  }
0x28e: {  	s4 =	sadd.s32 @!p4 $0x28, s31;
	s13 =	sshll.u32 @!p5 s21, $0x6;
	s10 =	sand.u32 @!p1 $0x3FFF8, s0  }
0x28f: {  	s13 =	sshra.s32 @!p5 s13, $0x2;
	s0 =	sand.u32 @!p1 $0x7, s0;
	s10 =	sadd.s32 @!p1 s3, s10;
	[tilespmem:s31+$0x28] =	vst.add.f32.msk @!p4 $0xffff, v1  }
0x290: {  	[hbm4b:s10+s0] =	stream.linear.scatter @!p1 [tilespmem:s4], [sflag:$0xC], $0x10, $0x38;
	[tilespmem:$0x1F0F8] =	vst v63  }
0x291: {  	s1 =	rddreg [dreg:$0x5];
	s0 =	sadd.s32 @!p5 $0x28, s13;
	s4 =	simm.s32 @!p5 $0x1  }
0x292: {  	[spmem:s1] =	stream.linear.scatter @!p5 [tilespmem:s0], [sflag:$0x1], $0x10, $0x38;
	[tilespmem:$0x1F0F8] =	vst v63  }
0x293: {  	s2 =	sadd.s32 @p2 $0x1, s21;
	_ =	swait.ge @!p5 [sflag:s4], $0x10  }
0x294: {  	s5 =	sshrl.u32 @p2 s2, $0x4;
	[sflag:s4] =	ssyncset.done @!p5 $0x0  }
0x295: {  	s24 =	sadd.s32 $0x80, s24;
	s5 =	smulhi.u32 @p2 $0x97B425F, s5;
	[sflag:s4] =	ssyncadd.s32 @!p5 $0xFFFFFFF0  }
0x296: {  	s28 =	sadd.s32 $0x1, s28;
	v1 =	vld @p2 [tilespmem:s24+$0x0]  }
0x297: {  	p3 =	seq.s32 s28, $0x0;
	s5 =	smul.u32 @p2 $0x1B0, s5  }
.Ltmp16:
0x298: {  	_ = 	snop;
	(pc) =	sbr.rel @!p3 .LBB2_16-.Ltmp16, $4  }
0x299: {  	s2 =	ssub.s32 @p2 s2, s5  }
0x29a: {  	s8 =	sadd.s32 @!p4 s8, s29;
	s5 =	sshll.u32 @p2 s2, $0x4  }
0x29b: {  	s9 =	sadd.s32 @p2 $0x1, s25;
	s8 =	smov.u32 @p4 s29;
	[tilespmem:s5+$0x28] =	vst @p2 v1  }
0x29c: {  	s25 =	smov.u32 @p2 s9;
	s21 =	smov.u32 @p2 s2;
	s29 =	smov.u32 @p2 s8;
	v1 =	vld @!p2 [tilespmem:s24+$0x0]  }
.LBB2_17:
.Ltmp17:
0x29d: {  	_ = 	snop;
	(pc) =	sbr.rel .LBB2_19-.Ltmp17, $3  }
0x29e: {  	s1 =	sld [smem:$0x7FD];
	_ =	sdelay $0x1  }
0x29f: {  	s0 =	sshrl.u32 s29, $0x2;
	s28 =	smov.u32 s26;
	s8 =	smov.u32 s14  }
0x2a0: {  	s4 =	smov.u32 s6;
	s6 =	rddreg [dreg:$0x7];
	p4 =	seq.s32 s1, $0x1;
	[tilespmem:s30+$0x28] =	vst.add.f32.msk @!p2 $0xffff, v1  }
.LBB2_21:
0x2a1: {  	_ =	sfence.sel $0x180000  }
0x2a2: {  	s0 =	simm.s32 $0x9;
	[bflag:$0x0] =	sbarrier.arrive $0xFFFF  }
0x2a3: {  	s24 =	simm.s32 $0xA;
	[sflag:s0] =	ssyncpa.u1 $0x1  }
0x2a4: {  	s25 =	simm.s32 $0xB;
	[sflag:s24] =	ssyncpa.u1 $0x1  }
0x2a5: {  	s26 =	simm.s32 $0x2;
	[sflag:s25] =	ssyncpa.u1 $0x1  }
0x2a6: {  	[sflag:s26] =	ssyncpa.u1 $0x1  }
0x2a7: {  	v0 =	vld [tilespmem:$0x3648];
	_ =	sdelay $0x4  }
0x2a8: {  	(v2sf) =	vpush v0, $0x0  }
0x2a9: {  	(v2sf) =	vpush v0, $0x1;
	_ =	sdelay $0x1  }
0x2aa: {  	(v2sf) =	vpush v0, $0x2;
	_ =	sdelay $0xb  }
0x2ab: {  	s0 =	spop (v2sf)  }
0x2ac: {  	s1 =	spop (v2sf)  }
0x2ad: {  	s2 =	smov.u32 s0;
	p0 =	sne.s32 s0, s1  }
0x2ae: {  	s4 =	spop (v2sf);
	s2 =	simm.s32 @!p0 $0xFFFFFFFF  }
0x2af: {  	v2 =	vimm.s32 $0x1;
	v3 =	vlaneseq.u32;
	p0 =	seq.s32 s4, $0xFFFFFFFF;
	v1 =	vmov s2  }
0x2b0: {  	s16 =	stileid.u32;
	v0 =	vperm.xlane v0, v2;
	p1 =	sne.s32 @!p0 s0, s1;
	v1 =	vperm.xlane v1, v3  }
0x2b1: {  	vm0 =	vcmask $0x3F04;
	s6 =	simm.s32 $0x3648;
	s0 =	simm.s32 @!p0 $0x1;
	p1 =	por !p1, p0  }
0x2b2: {  	s2 =	sshll.u32 s16, $0x1;
	s1 =	sshll.u32 @!p0 s4, $0x6;
	s0 =	simm.s32 @p1 $0x0;
	v0 =	vsel vm0, v1, v0  }
0x2b3: {  	s5 =	sor.u32 $0x200, s2;
	s1 =	sshra.s32 @!p0 s1, $0x2;
	s0 =	sor.u32 @!p0 s0, s2;
	[tilespmem:$0x3648] =	vst v0  }
0x2b4: {  	[spmem:s5] =	stream.linear.scatter [tilespmem:s6], [sflag:$0x1], $0x2, $0x38;
	[tilespmem:$0x1F0F8] =	vst v63  }
0x2b5: {  	s1 =	sadd.s32 @!p0 $0x28, s1;
	s0 =	sshll.u32 @!p0 s0, $0x4  }
0x2b6: {  	[spmem:s0] =	stream.linear.scatter @!p0 [tilespmem:s1], [sflag:$0x1], $0x10, $0x38;
	[tilespmem:$0x1F0F8] =	vst v63  }
0x2b7: {  	s0 =	simm.s32 @!p0 $0x12  }
0x2b8: {  	s28 =	simm.s32 $0x1;
	s0 =	simm.s32 @p0 $0x2  }
0x2b9: {  	_ =	swait.ge [sflag:s28], s0  }
0x2ba: {  	s0 =	ssub.s32 $0x0, s0;
	[sflag:s28] =	ssyncset.done $0x0  }
0x2bb: {  	p0 =	sne.s32 s16, $0x0;
	[sflag:s28] =	ssyncadd.s32 s0  }
.Ltmp18:
0x2bc: {  	_ =	sfence.stream.spmem;
	(pc) =	sbr.rel @p0 .LBB2_38-.Ltmp18, $4  }
0x2bd: {  	s29 =	simm.s32 $0x3;
	[bflag:$0x0] =	sbarrier.arrive $0xFFFF  }
0x2be: {  	s30 =	simm.s32 $0x4;
	[sflag:s29] =	ssyncpa.u1 $0x1  }
0x2bf: {  	s31 =	simm.s32 $0x3C;
	[sflag:s30] =	ssyncpa.u1 $0x1  }
0x2c0: {  	s17 =	rddreg [dreg:$0x6];
	[sflag:s31] =	ssyncpa.u1 $0x1  }
0x2c1: {  	_ =	sfence.stream.spmem;
	s0 =	simm.s32 $0x5  }
0x2c2: {  	s1 =	simm.s32 $0x200;
	s2 =	simm.s32 $0x3658;
	[sflag:s0] =	ssyncpa.u1 $0x0  }
0x2c3: {  	[tilespmem:s2], [sflag:$0x5] =	stream.linear.gather [spmem:s1], $0x20, $0x38;
	[tilespmem:$0x1F0F8] =	vst v63  }
0x2c4: {  	s26 =	simm.s32 $0x0;
	s28 =	simm.s32 $0x3678  }
0x2c5: {  	[tilespmem:s28], [sflag:$0x5] =	stream.linear.gather [spmem:s26], $0x200, $0x38;
	[tilespmem:$0x1F0F8] =	vst v63  }
0x2c6: {  	_ =	swait.ge [sflag:s0], $0x220  }
0x2c7: {  	[sflag:s0] =	ssyncset.done $0x0  }
0x2c8: {  	s29 =	simm.s32 $0x0;
	[sflag:s0] =	ssyncadd.s32 $0xFFFFFDE0  }
0x2c9: {  	v0 =	vld.msk [tilespmem:s29+$0x3658], $0x1;
	_ =	sdelay $0x1  }
0x2ca: {  	s30 =	simm.s32 $0x1  }
0x2cb: {  	v1 =	vld.msk [tilespmem:s30+$0x3658], $0x1;
	_ =	sdelay $0x1  }
0x2cc: {  	(v2sf) =	vpush v0, $0x0;
	_ =	sdelay $0x2  }
0x2cd: {  	(v2sf) =	vpush v1, $0x0;
	_ =	sdelay $0x2  }
0x2ce: {  	s31 =	simm.s32 $0x2  }
0x2cf: {  	v0 =	vld.msk [tilespmem:s31+$0x3658], $0x1;
	_ =	sdelay $0x2  }
0x2d0: {  	s6 =	simm.s32 $0xFFFFFFFF;
	s1 =	simm.s32 $0xFFFFFFFF;
	s0 =	simm.s32 $0xC  }
.LBB2_23:
0x2d1: {  	s2 =	smov.u32 s6;
	s4 =	smov.u32 s1  }
0x2d2: {  	s1 =	sshra.s32 s0, $0x2;
	p1 =	sne.s32 s0, $0x7C;
	s0 =	sadd.s32 $0x4, s0;
	(v2sf) =	vpush v0, $0x0  }
0x2d3: {  	v0 =	vld.msk [tilespmem:s1+$0x3658], $0x1  }
.Ltmp19:
0x2d4: {  	(pc) =	sbr.rel @p1 .LBB2_23-.Ltmp19, $4  }
0x2d5: {  	s6 =	spop (v2sf)  }
0x2d6: {  	p2 =	sne.s32 s4, $0xFFFFFFFF;
	s1 =	smov.u32 s6  }
0x2d7: {  	p3 =	seq.s32 s6, $0xFFFFFFFF;
	s1 =	smov.u32 @p2 s4  }
0x2d8: {  	s6 =	smov.u32 @p3 s2;
	s1 =	smov.u32 @p3 s4  }
0x2d9: {  	(v2sf) =	vpush v0, $0x0;
	_ =	sdelay $0x8  }
0x2da: {  	s0 =	spop (v2sf)  }
0x2db: {  	p1 =	sne.s32 s1, $0xFFFFFFFF;
	s2 =	smov.u32 s0  }
0x2dc: {  	s9 =	simm.s32 $0x6;
	p2 =	seq.s32 s0, $0xFFFFFFFF;
	s2 =	smov.u32 @p1 s1  }
0x2dd: {  	s10 =	simm.s32 $0x3638;
	s2 =	smov.u32 @p2 s1;
	s1 =	spop (v2sf)  }
0x2de: {  	s0 =	smov.u32 @p2 s6;
	p1 =	sne.s32 s2, $0xFFFFFFFF;
	s4 =	smov.u32 s1  }
.Ltmp20:
0x2df: {  	p2 =	seq.s32 s1, $0xFFFFFFFF;
	s4 =	smov.u32 @p1 s2;
	(pc) =	sbr.rel .LBB2_25-.Ltmp20, $4  }
0x2e0: {  	s11 =	simm.s32 $0x0;
	s4 =	smov.u32 @p2 s2;
	s7 =	spop (v2sf)  }
0x2e1: {  	[sflag:s9] =	ssyncpa.u1 $0x0;
	p1 =	sne.s32 s4, $0xFFFFFFFF;
	s8 =	smov.u32 s7  }
0x2e2: {  	s1 =	smov.u32 @p2 s0;
	p2 =	seq.s32 s7, $0xFFFFFFFF;
	s8 =	smov.u32 @p1 s4  }
0x2e3: {  	s6 =	simm.s32 $0x0;
	s7 =	smov.u32 @p2 s1;
	s8 =	smov.u32 @p2 s4  }
.LBB2_30:
0x2e4: {  	p1 =	sgt.u32 s12, $0x2717E  }
0x2e5: {  	p2 =	seq.s32 @!p1 s12, s8  }
0x2e6: {  	p1 =	por p1, p2  }
0x2e7: {  	p2 =	sne.s32 @!p1 s12, s7  }
0x2e8: {  	p1 =	por p1, !p2  }
0x2e9: {  	s0 =	sshll.u32 @p1 s11, $0x6  }
0x2ea: {  	s0 =	sand.u32 @!p1 $0x3FFF8, s12  }
0x2eb: {  	s1 =	sand.u32 @!p1 $0x7, s12;
	s0 =	sadd.s32 @!p1 s3, s0  }
0x2ec: {  	[tilespmem:s10], [sflag:$0x6] =	stream.linear.gather @!p1 [hbm4b:s0+s1], $0x10, $0x38;
	[tilespmem:$0x1F0F8] =	vst v63  }
0x2ed: {  	_ =	swait.ge @!p1 [sflag:s9], $0x10  }
0x2ee: {  	[sflag:s9] =	ssyncset.done @!p1 $0x0  }
0x2ef: {  	[sflag:s9] =	ssyncadd.s32 @!p1 $0xFFFFFFF0  }
0x2f0: {  	v1 =	vld @!p1 [tilespmem:$0x3638];
	_ =	sdelay $0x2  }
0x2f1: {  	s0 =	sshll.u32 @!p1 s11, $0x6  }
0x2f2: {  	s1 =	sshrl.u32 @!p1 s0, $0x2  }
0x2f3: {  	[tilespmem:s1+$0x3678] =	vst.add.f32.msk @!p1 $0xffff, v1  }
0x2f4: {  	s0 =	sshrl.u32 s0, $0x2;
	[tilespmem:s6+$0x3658] =	vst.msk $0x1, v0  }
0x2f5: {  	v0 =	vld [tilespmem:s0+$0x3678];
	_ =	sdelay $0x2  }
0x2f6: {  	s31 =	sshll.u32 s6, $0x6  }
0x2f7: {  	s0 =	sshra.s32 s31, $0x2  }
0x2f8: {  	s6 =	sadd.s32 $0x1, s6;
	[tilespmem:s0+$0x3678] =	vst v0  }
.LBB2_32:
0x2f9: {  	s11 =	sadd.s32 $0x1, s11  }
0x2fa: {  	p1 =	sne.s32 s11, $0x20  }
.Ltmp21:
0x2fb: {  	_ = 	snop;
	(pc) =	sbr.rel @!p1 .LBB2_33-.Ltmp21, $1  }
0x2fc: {  	_ =	sdelay $0x3  }
.LBB2_25:
0x2fd: {  	v0 =	vld.msk [tilespmem:s11+$0x3658], $0x1;
	_ =	sdelay $0x4  }
0x2fe: {  	(v2sf) =	vpush v0, $0x0;
	_ =	sdelay $0xe  }
0x2ff: {  	s12 =	spop (v2sf)  }
0x300: {  	p1 =	seq.s32 s12, $0xFFFFFFFF  }
.Ltmp22:
0x301: {  	_ = 	snop;
	(pc) =	sbr.rel @p1 .LBB2_32-.Ltmp22, $1  }
0x302: {  	_ =	sdelay $0x3  }
0x303: {  	p1 =	slt.s32 s6, $0x1  }
.Ltmp23:
0x304: {  	_ = 	snop;
	(pc) =	sbr.rel @p1 .LBB2_30-.Ltmp23, $1  }
0x305: {  	_ =	sdelay $0x3  }
0x306: {  	s13 =	simm.s32 $0x3658;
	p1 =	por $0x0, $0x0  }
0x307: {  	v1 =	vld.msk @!p1 [tilespmem:s13+$0x0], $0x1;
	_ =	sdelay $0x4  }
0x308: {  	(v2sf) =	vpush @!p1 v1, $0x0;
	_ =	sdelay $0xd  }
0x309: {  	p3 =	sne.s32 s6, $0x1  }
.Ltmp24:
0x30a: {  	s0 =	spop @!p1 (v2sf);
	(pc) =	sbr.rel @!p3 .LBB2_29-.Ltmp24, $4  }
0x30b: {  	p2 =	seq.s32 @!p1 s12, s0  }
0x30c: {  	s14 =	simm.s32 $0x0;
	p2 =	por !p2, p1  }
0x30d: {  	s0 =	simm.s32 $0xFFFFFFFF;
	s14 =	simm.s32 @p2 $0xFFFFFFFF  }
0x30e: {  	s15 =	simm.s32 $0x1;
	s14 =	smov.u32 @p1 s0  }
.LBB2_28:
0x30f: {  	s0 =	smov.u32 s14;
	p1 =	sne.s32 s14, $0xFFFFFFFF  }
0x310: {  	s13 =	sadd.s32 $0x1, s13;
	s14 =	smov.u32 s15;
	s15 =	sadd.s32 $0x1, s15  }
0x311: {  	p2 =	sne.s32 s6, s15;
	v1 =	vld.msk @!p1 [tilespmem:s13+$0x0], $0x1;
	_ =	sdelay $0x4  }
0x312: {  	(v2sf) =	vpush @!p1 v1, $0x0;
	_ =	sdelay $0xe  }
.Ltmp25:
0x313: {  	s1 =	spop @!p1 (v2sf);
	(pc) =	sbr.rel @p2 .LBB2_28-.Ltmp25, $4  }
0x314: {  	p3 =	seq.s32 @!p1 s12, s1  }
0x315: {  	p3 =	por !p3, p1  }
0x316: {  	s14 =	simm.s32 @p3 $0xFFFFFFFF  }
0x317: {  	s14 =	smov.u32 @p1 s0  }
.LBB2_29:
0x318: {  	p1 =	sne.s32 s14, $0xFFFFFFFF  }
.Ltmp26:
0x319: {  	_ = 	snop;
	(pc) =	sbr.rel @!p1 .LBB2_30-.Ltmp26, $1  }
0x31a: {  	_ =	sdelay $0x3  }
0x31b: {  	s0 =	sshll.u32 s11, $0x4  }
0x31c: {  	s0 =	sand.u32 $0x3FFFFFF0, s0  }
0x31d: {  	v0 =	vld [tilespmem:s0+$0x3678]  }
.Ltmp27:
0x31e: {  	_ = 	snop;
	(pc) =	sbr.rel .LBB2_32-.Ltmp27, $4  }
0x31f: {  	_ = 	snop  }
0x320: {  	s31 =	sshll.u32 s14, $0x6  }
0x321: {  	s0 =	sshra.s32 s31, $0x2  }
0x322: {  	[tilespmem:s0+$0x3678] =	vst.add.f32.msk $0xffff, v0  }
.LBB2_33:
0x323: {  	s0 =	simm.s32 $0x6;
	p1 =	seq.s32 s6, $0x0  }
0x324: {  	[sflag:s0] =	ssyncpa.u1 $0x1;
	v0 =	vimm.s32 @p1 $0xFFFFFFFF  }
0x325: {  	s9 =	sadd.s32 $0xFFFFFFFF, s6;
	[tilespmem:$0x3878] =	vst @p1 v0  }
0x326: {  	v0 =	vld.msk @!p1 [tilespmem:s9+$0x3658], $0x1;
	_ =	sdelay $0x1  }
0x327: {  	v1 =	vld.msk @!p1 [tilespmem:$0x3658], $0x1;
	_ =	sdelay $0x2  }
0x328: {  	p2 =	seq.s32 @!p1 s9, $0x0;
	v0 =	vbroadcast @!p1 v0, $0x0  }
0x329: {  	vm0 =	vmmov @!p1 $0x1;
	p2 =	por !p2, p1  }
0x32a: {  	v1 =	vnsel @!p1 vm0, $0xFFFFFFFF, v1;
	vm0 =	vcmask @!p1 $0x308;
	v0 =	vpsel !p2, $0xFFFFFFFF, v0  }
0x32b: {  	p2 =	sne.s32 @!p1 s8, s7;
	v0 =	vsel @!p1 vm0, v1, v0  }
0x32c: {  	s0 =	simm.s32 @!p1 $0x3678;
	s1 =	simm.s32 @!p1 $0x0;
	p3 =	por !p2, p1;
	[tilespmem:$0x3878] =	vst @!p1 v0  }
0x32d: {  	[spmem:s1] =	stream.linear.scatter @!p1 [tilespmem:s0], [sflag:$0x1], $0x10, $0x38;
	[tilespmem:$0x1F0F8] =	vst v63  }
0x32e: {  	s0 =	sshll.u32 @!p3 s9, $0x6  }
0x32f: {  	s0 =	sshra.s32 @!p3 s0, $0x2  }
0x330: {  	s1 =	simm.s32 @!p3 $0x10;
	s0 =	sadd.s32 @!p3 $0x3678, s0  }
0x331: {  	[spmem:s1] =	stream.linear.scatter @!p3 [tilespmem:s0], [sflag:$0x1], $0x10, $0x38;
	[tilespmem:$0x1F0F8] =	vst v63  }
0x332: {  	s0 =	simm.s32 @!p3 $0x1  }
0x333: {  	_ =	swait.ge @!p3 [sflag:s0], $0x20  }
0x334: {  	p1 =	por p2, p1;
	[sflag:s0] =	ssyncset.done @!p3 $0x0  }
0x335: {  	[sflag:s0] =	ssyncadd.s32 @!p3 $0xFFFFFFE0;
	s0 =	simm.s32 @!p1 $0x1  }
0x336: {  	_ =	swait.ge @!p1 [sflag:s0], $0x10  }
0x337: {  	s29 =	simm.s32 $0x3878;
	[sflag:s0] =	ssyncset.done @!p1 $0x0  }
0x338: {  	s30 =	simm.s32 $0x200;
	s31 =	simm.s32 $0x1;
	[sflag:s0] =	ssyncadd.s32 @!p1 $0xFFFFFFF0  }
0x339: {  	[spmem:s30] =	stream.linear.scatter [tilespmem:s29], [sflag:$0x1], $0x10, $0x38;
	[tilespmem:$0x1F0F8] =	vst v63  }
0x33a: {  	_ =	swait.ge [sflag:s31], $0x10  }
0x33b: {  	[sflag:s31] =	ssyncset.done $0x0  }
0x33c: {  	p1 =	seq.s32 s17, $0x0;
	s8 =	rddreg [dreg:$0x2];
	[sflag:s31] =	ssyncadd.s32 $0xFFFFFFF0  }
0x33d: {  	s1 =	sshll.u32 @p1 s8, $0xE;
	s7 =	rddreg [dreg:$0x3]  }
0x33e: {  	s0 =	sadd.s32 @p1 $0x15C3C, s1;
	s1 =	sshll.u32 @p1 s7, $0x11  }
0x33f: {  	_ =	sfence.stream.spmem;
	s0 =	sor.u32 @p1 s1, s0  }
0x340: {  	[sflag:s0] =	ssyncadd.remote.s32 @p1 $0x1;
	s0 =	simm.s32 @p1 $0x4  }
0x341: {  	s2 =	simm.s32 @!p1 $0x3C;
	s1 =	sand.u32 $0xFFFFFFFE, s8;
	_ =	swait.ge @p1 [sflag:s0], $0x6  }
0x342: {  	s4 =	simm.s32 @!p1 $0x0;
	s1 =	sadd.s32 @!p1 $0x4, s1;
	[sflag:s0] =	ssyncset.done @p1 $0x0  }
0x343: {  	s5 =	simm.s32 @!p1 $0x20;
	[sflag:s0] =	ssyncadd.s32 @p1 $0xFFFFFFFA;
	s0 =	sshll.u32 @!p1 s1, $0x1A  }
0x344: {  	s1 =	sshll.u32 @!p1 s1, $0xD;
	s0 =	sor.u32 @!p1 s0, s7;
	_ =	swait.eq @!p1 [sflag:s2], $0x1  }
0x345: {  	s1 =	sor.u32 @!p1 $0x1C04, s1;
	s2 =	simm.s32 @!p1 $0x1C03;
	s0 =	sor.u32 @!p1 $0x80004000, s0  }
0x346: {  	[spmem:s5], [sflag:s1] =	dma.general @!p1 [spmem:s4], [sflag:s2], length:$0x4, [dreg:$0x0], stride_count:$0x0, ici_dest:s0, dma_misc:DstOpCode:WRITE  }
0x347: {  	p2 =	slt.s32 s9, $0x2;
	s4 =	simm.s32 @!p1 $0x40;
	s5 =	simm.s32 @!p1 $0x42  }
0x348: {  	[spmem:s5], [sflag:s1] =	dma.general @!p1 [spmem:s4], [sflag:s2], length:$0x2, [dreg:$0x0], stride_count:$0x0, ici_dest:s0, dma_misc:DstOpCode:WRITE  }
.Ltmp28:
0x349: {  	s0 =	simm.s32 @!p1 $0x3;
	(pc) =	sbr.rel @p2 .LBB2_37-.Ltmp28, $4  }
0x34a: {  	s1 =	sshll.u32 @!p1 s8, $0xE;
	_ =	swait.ge @!p1 [sflag:s0], $0x6  }
0x34b: {  	s2 =	sshll.u32 @!p1 s7, $0x11;
	s1 =	sadd.s32 @!p1 $0x11C3C, s1;
	[sflag:s0] =	ssyncset.done @!p1 $0x0  }
0x34c: {  	[sflag:s0] =	ssyncadd.s32 @!p1 $0xFFFFFFFA;
	s0 =	sor.u32 @!p1 s2, s1  }
0x34d: {  	[sflag:s0] =	ssyncadd.remote.s32 @!p1 $0xFFFFFFFF;
	s0 =	simm.s32 $0x0  }
0x34e: {  	s0 =	simm.s32 $0x3659  }
0x34f: {  	v0 =	vld.msk [tilespmem:s0+$0x0], $0x1;
	_ =	sdelay $0x4  }
0x350: {  	(v2sf) =	vpush v0, $0x0;
	_ =	sdelay $0xd  }
0x351: {  	s2 =	sadd.s32 $0xFFFFFFFE, s6  }
0x352: {  	s2 =	sadd.s32 $0xFFFFFFFF, s2;
	s0 =	spop (v2sf)  }
0x353: {  	p2 =	sne.s32 s2, $0x0;
	p1 =	sgt.u32 s0, $0x2717E  }
.Ltmp29:
0x354: {  	s4 =	sand.u32 @!p1 $0x3FFF8, s0;
	(pc) =	sbr.rel @!p2 .LBB2_36-.Ltmp29, $4  }
0x355: {  	s1 =	simm.s32 $0x3688;
	s0 =	sand.u32 @!p1 $0x7, s0;
	s4 =	sadd.s32 @!p1 s3, s4  }
0x356: {  	[hbm4b:s4+s0] =	stream.linear.scatter @!p1 [tilespmem:s1], [sflag:$0x5], $0x10, $0x38;
	[tilespmem:$0x1F0F8] =	vst v63  }
0x357: {  	s0 =	simm.s32 $0x0  }
0x358: {  	s6 =	simm.s32 $0x0;
	s7 =	simm.s32 $0x365A;
	s0 =	simm.s32 @!p1 $0x40  }
.LBB2_35:
0x359: {  	v0 =	vld.msk [tilespmem:s7+$0x0], $0x1;
	s2 =	sadd.s32 $0xFFFFFFFF, s2;
	s6 =	sadd.s32 s6, s0  }
0x35a: {  	p1 =	sne.s32 s2, $0x0;
	_ =	sdelay $0x3  }
0x35b: {  	(v2sf) =	vpush v0, $0x0;
	_ =	sdelay $0xe  }
.Ltmp30:
0x35c: {  	s4 =	spop (v2sf);
	(pc) =	sbr.rel @p1 .LBB2_35-.Ltmp30, $4  }
0x35d: {  	s0 =	simm.s32 $0x0;
	p2 =	sgt.u32 s4, $0x2717E  }
0x35e: {  	s1 =	sadd.s32 $0x10, s1;
	s0 =	simm.s32 @!p2 $0x40;
	s5 =	sand.u32 @!p2 $0x3FFF8, s4  }
0x35f: {  	s7 =	sadd.s32 $0x1, s7;
	s4 =	sand.u32 @!p2 $0x7, s4;
	s5 =	sadd.s32 @!p2 s3, s5  }
0x360: {  	[hbm4b:s5+s4] =	stream.linear.scatter @!p2 [tilespmem:s1], [sflag:$0x5], $0x10, $0x38;
	[tilespmem:$0x1F0F8] =	vst v63  }
.LBB2_36:
0x361: {  	s0 =	sadd.s32 s6, s0  }
0x362: {  	s0 =	sshrl.u32 s0, $0x2  }
.LBB2_37:
0x363: {  	s1 =	simm.s32 $0x5  }
0x364: {  	_ =	swait.ge [sflag:s1], s0  }
0x365: {  	s31 =	ssub.s32 $0x0, s0;
	[sflag:s1] =	ssyncset.done $0x0  }
0x366: {  	[sflag:s1] =	ssyncadd.s32 s31  }
0x367: {  	[sflag:s1] =	ssyncpa.u1 $0x1  }
.LBB2_38:
0x368: {  	s0 =	sor.u32 s17, s16  }
0x369: {  	p1 =	sne.s32 s0, $0x0  }
.Ltmp31:
0x36a: {  	_ = 	snop;
	(pc) =	sbr.rel @p1 .LBB2_53-.Ltmp31, $3  }
0x36b: {  	_ =	sdelay $0x1  }
0x36c: {  	[bflag:$0x0] =	sbarrier.arrive $0xFFFF  }
0x36d: {  	_ =	sfence  }
0x36e: {  	s0 =	simm.s32 $0x7  }
0x36f: {  	s1 =	simm.s32 $0x200;
	s2 =	simm.s32 $0x3658;
	[sflag:s0] =	ssyncpa.u1 $0x0  }
0x370: {  	[tilespmem:s2], [sflag:$0x7] =	stream.linear.gather [spmem:s1], $0x20, $0x38;
	[tilespmem:$0x1F0F8] =	vst v63  }
0x371: {  	s30 =	simm.s32 $0x3678;
	s1 =	simm.s32 $0x0  }
0x372: {  	[tilespmem:s30], [sflag:$0x7] =	stream.linear.gather [spmem:s1], $0x200, $0x38;
	[tilespmem:$0x1F0F8] =	vst v63  }
.Ltmp32:
0x373: {  	_ = 	snop;
	(pc) =	sbr.rel .LBB2_40-.Ltmp32, $4  }
0x374: {  	_ =	swait.ge [sflag:s0], $0x220  }
0x375: {  	[sflag:s0] =	ssyncset.done $0x0  }
0x376: {  	s31 =	simm.s32 $0x8;
	[sflag:s0] =	ssyncadd.s32 $0xFFFFFDE0  }
0x377: {  	s2 =	simm.s32 $0x0;
	[sflag:s31] =	ssyncpa.u1 $0x0  }
.LBB2_45:
0x378: {  	p1 =	slt.u32 s4, $0x2717F  }
0x379: {  	s0 =	sand.u32 @p1 $0x3FFF8, s4  }
0x37a: {  	s4 =	sand.u32 @p1 $0x7, s4;
	s5 =	simm.s32 @p1 $0x3638;
	s0 =	sadd.s32 @p1 s3, s0  }
0x37b: {  	[tilespmem:s5], [sflag:$0x8] =	stream.linear.gather @p1 [hbm4b:s0+s4], $0x10, $0x38;
	[tilespmem:$0x1F0F8] =	vst v63  }
0x37c: {  	s0 =	simm.s32 @p1 $0x8  }
0x37d: {  	_ =	swait.ge @p1 [sflag:s0], $0x10  }
0x37e: {  	[sflag:s0] =	ssyncset.done @p1 $0x0  }
0x37f: {  	[sflag:s0] =	ssyncadd.s32 @p1 $0xFFFFFFF0  }
0x380: {  	v1 =	vld @p1 [tilespmem:$0x3638];
	_ =	sdelay $0x2  }
0x381: {  	s0 =	sshll.u32 @p1 s2, $0x6  }
0x382: {  	s5 =	sshll.u32 @!p1 s2, $0x6;
	s4 =	sshrl.u32 @p1 s0, $0x2  }
0x383: {  	s5 =	smov.u32 @p1 s0;
	[tilespmem:s4+$0x3678] =	vst.add.f32.msk @p1 $0xffff, v1  }
0x384: {  	s0 =	sshrl.u32 s5, $0x2;
	[tilespmem:s1+$0x3658] =	vst.msk $0x1, v0  }
0x385: {  	v0 =	vld [tilespmem:s0+$0x3678];
	_ =	sdelay $0x2  }
0x386: {  	s31 =	sshll.u32 s1, $0x6  }
0x387: {  	s0 =	sshra.s32 s31, $0x2  }
0x388: {  	s1 =	sadd.s32 $0x1, s1;
	[tilespmem:s0+$0x3678] =	vst v0  }
.LBB2_47:
0x389: {  	s2 =	sadd.s32 $0x1, s2  }
0x38a: {  	p1 =	sne.s32 s2, $0x20  }
.Ltmp33:
0x38b: {  	_ = 	snop;
	(pc) =	sbr.rel @!p1 .LBB2_48-.Ltmp33, $1  }
0x38c: {  	_ =	sdelay $0x3  }
.LBB2_40:
0x38d: {  	v0 =	vld.msk [tilespmem:s2+$0x3658], $0x1;
	_ =	sdelay $0x4  }
0x38e: {  	(v2sf) =	vpush v0, $0x0;
	_ =	sdelay $0xe  }
0x38f: {  	s4 =	spop (v2sf)  }
0x390: {  	p1 =	seq.s32 s4, $0xFFFFFFFF  }
.Ltmp34:
0x391: {  	_ = 	snop;
	(pc) =	sbr.rel @p1 .LBB2_47-.Ltmp34, $1  }
0x392: {  	_ =	sdelay $0x3  }
0x393: {  	p1 =	slt.s32 s1, $0x1  }
.Ltmp35:
0x394: {  	_ = 	snop;
	(pc) =	sbr.rel @p1 .LBB2_45-.Ltmp35, $1  }
0x395: {  	_ =	sdelay $0x3  }
0x396: {  	s5 =	simm.s32 $0x3658;
	p1 =	por $0x0, $0x0  }
0x397: {  	v1 =	vld.msk @!p1 [tilespmem:s5+$0x0], $0x1;
	_ =	sdelay $0x4  }
0x398: {  	(v2sf) =	vpush @!p1 v1, $0x0;
	_ =	sdelay $0xd  }
0x399: {  	p3 =	sne.s32 s1, $0x1  }
.Ltmp36:
0x39a: {  	s0 =	spop @!p1 (v2sf);
	(pc) =	sbr.rel @!p3 .LBB2_44-.Ltmp36, $4  }
0x39b: {  	p2 =	seq.s32 @!p1 s4, s0  }
0x39c: {  	s6 =	simm.s32 $0x0;
	p2 =	por !p2, p1  }
0x39d: {  	s0 =	simm.s32 $0xFFFFFFFF;
	s6 =	simm.s32 @p2 $0xFFFFFFFF  }
0x39e: {  	s7 =	simm.s32 $0x1;
	s6 =	smov.u32 @p1 s0  }
.LBB2_43:
0x39f: {  	s0 =	smov.u32 s6;
	p1 =	sne.s32 s6, $0xFFFFFFFF  }
0x3a0: {  	s5 =	sadd.s32 $0x1, s5;
	s6 =	smov.u32 s7;
	s7 =	sadd.s32 $0x1, s7  }
0x3a1: {  	p2 =	sne.s32 s1, s7;
	v1 =	vld.msk @!p1 [tilespmem:s5+$0x0], $0x1;
	_ =	sdelay $0x4  }
0x3a2: {  	(v2sf) =	vpush @!p1 v1, $0x0;
	_ =	sdelay $0xe  }
.Ltmp37:
0x3a3: {  	s8 =	spop @!p1 (v2sf);
	(pc) =	sbr.rel @p2 .LBB2_43-.Ltmp37, $4  }
0x3a4: {  	p3 =	seq.s32 @!p1 s4, s8  }
0x3a5: {  	p3 =	por !p3, p1  }
0x3a6: {  	s6 =	simm.s32 @p3 $0xFFFFFFFF  }
0x3a7: {  	s6 =	smov.u32 @p1 s0  }
.LBB2_44:
0x3a8: {  	p1 =	sne.s32 s6, $0xFFFFFFFF  }
.Ltmp38:
0x3a9: {  	_ = 	snop;
	(pc) =	sbr.rel @!p1 .LBB2_45-.Ltmp38, $1  }
0x3aa: {  	_ =	sdelay $0x3  }
0x3ab: {  	s0 =	sshll.u32 s2, $0x4  }
0x3ac: {  	s0 =	sand.u32 $0x3FFFFFF0, s0  }
0x3ad: {  	v0 =	vld [tilespmem:s0+$0x3678]  }
.Ltmp39:
0x3ae: {  	_ = 	snop;
	(pc) =	sbr.rel .LBB2_47-.Ltmp39, $4  }
0x3af: {  	_ = 	snop  }
0x3b0: {  	s31 =	sshll.u32 s6, $0x6  }
0x3b1: {  	s0 =	sshra.s32 s31, $0x2  }
0x3b2: {  	[tilespmem:s0+$0x3678] =	vst.add.f32.msk $0xffff, v0  }
.LBB2_48:
0x3b3: {  	p1 =	slt.s32 s1, $0x1  }
.Ltmp40:
0x3b4: {  	_ = 	snop;
	(pc) =	sbr.rel @p1 .LBB2_52-.Ltmp40, $3  }
0x3b5: {  	_ =	sdelay $0x1  }
0x3b6: {  	s0 =	simm.s32 $0x8  }
0x3b7: {  	s2 =	simm.s32 $0x0;
	[sflag:s0] =	ssyncpa.u1 $0x1  }
0x3b8: {  	s0 =	simm.s32 $0x3658  }
0x3b9: {  	v0 =	vld.msk [tilespmem:s0+$0x0], $0x1;
	_ =	sdelay $0x4  }
0x3ba: {  	(v2sf) =	vpush v0, $0x0;
	_ =	sdelay $0xe  }
0x3bb: {  	s1 =	sadd.s32 $0xFFFFFFFF, s1;
	s0 =	spop (v2sf)  }
0x3bc: {  	p2 =	sne.s32 s1, $0x0;
	p1 =	sgt.u32 s0, $0x2717E  }
.Ltmp41:
0x3bd: {  	s5 =	sand.u32 @!p1 $0x3FFF8, s0;
	(pc) =	sbr.rel @!p2 .LBB2_51-.Ltmp41, $4  }
0x3be: {  	s4 =	simm.s32 $0x3678;
	s0 =	sand.u32 @!p1 $0x7, s0;
	s5 =	sadd.s32 @!p1 s3, s5  }
0x3bf: {  	[hbm4b:s5+s0] =	stream.linear.scatter @!p1 [tilespmem:s4], [sflag:$0x7], $0x10, $0x38;
	[tilespmem:$0x1F0F8] =	vst v63  }
0x3c0: {  	s0 =	simm.s32 $0x0  }
0x3c1: {  	s5 =	simm.s32 $0x3659;
	s0 =	simm.s32 @!p1 $0x40  }
.LBB2_50:
0x3c2: {  	v0 =	vld.msk [tilespmem:s5+$0x0], $0x1;
	s1 =	sadd.s32 $0xFFFFFFFF, s1;
	s2 =	sadd.s32 s2, s0  }
0x3c3: {  	p1 =	sne.s32 s1, $0x0;
	_ =	sdelay $0x3  }
0x3c4: {  	(v2sf) =	vpush v0, $0x0;
	_ =	sdelay $0xe  }
.Ltmp42:
0x3c5: {  	s6 =	spop (v2sf);
	(pc) =	sbr.rel @p1 .LBB2_50-.Ltmp42, $4  }
0x3c6: {  	s0 =	simm.s32 $0x0;
	p2 =	sgt.u32 s6, $0x2717E  }
0x3c7: {  	s4 =	sadd.s32 $0x10, s4;
	s0 =	simm.s32 @!p2 $0x40;
	s7 =	sand.u32 @!p2 $0x3FFF8, s6  }
0x3c8: {  	s5 =	sadd.s32 $0x1, s5;
	s6 =	sand.u32 @!p2 $0x7, s6;
	s7 =	sadd.s32 @!p2 s3, s7  }
0x3c9: {  	[hbm4b:s7+s6] =	stream.linear.scatter @!p2 [tilespmem:s4], [sflag:$0x7], $0x10, $0x38;
	[tilespmem:$0x1F0F8] =	vst v63  }
.LBB2_51:
0x3ca: {  	s0 =	sadd.s32 s2, s0  }
0x3cb: {  	s2 =	sshrl.u32 s0, $0x2  }
.LBB2_52:
0x3cc: {  	s0 =	simm.s32 $0x7  }
0x3cd: {  	_ =	swait.ge [sflag:s0], s2  }
0x3ce: {  	s1 =	ssub.s32 $0x0, s2;
	[sflag:s0] =	ssyncset.done $0x0  }
0x3cf: {  	[sflag:s0] =	ssyncadd.s32 s1  }
0x3d0: {  	[sflag:s0] =	ssyncpa.u1 $0x1  }
.LBB2_53:
0x3d1: {  	_ =	sfence;
	s0 =	simm.s32 $0x1  }
0x3d2: {  	[sflag:s0] =	ssyncpa.u1 $0x1  }
0x3d3: {  	_ =	strace $0x90000047  }
0x3d4: {  	[bflag:$0x2] =	sbarrier.arrive $0xFFFF  }
0x3d5: {  	s0 =	rddreg [dreg:$0x4]  }
0x3d6: {  	s0 =	sadd.s32 @!p0 $0x100000, s0  }
0x3d7: {  	[sflag:s0] =	ssyncadd.tile.s32 @!p0 $0x1;
	_ =	shalt  }
.Lfunc_end2:
_tile_overlayer_lowered:
.L_overlay_start_2:
0x3d8: {  	(tag) =	ssettag $0x2  }
0x3d9: {  	s0 =	rddreg [dreg:$0x0];
	s2 =	stileid.u32  }
0x3da: {  	s1 =	rddreg [dreg:$0x1];
	p0 =	sne.s32 s2, $0x0  }
0x3db: {  	s3 =	rddreg [dreg:$0x2];
	[bflag:$0x3] =	sbarrier.arrive $0xFFFF;
	s2 =	simm.s32 @!p0 $0x1C01  }
0x3dc: {  	[timem:s3], [sflag:s2] =	dma.local @!p0 [hbm:s0], s1  }
0x3dd: {  	s0 =	simm.s32 @!p0 $0x1  }
0x3de: {  	_ =	swait.ge @!p0 [sflag:s0], s1  }
0x3df: {  	s1 =	ssub.s32 @!p0 $0x0, s1;
	[sflag:s0] =	ssyncset.done @!p0 $0x0  }
0x3e0: {  	[sflag:s0] =	ssyncadd.s32 @!p0 s1  }
0x3e1: {  	[bflag:$0x3] =	sbarrier.arrive $0xFFFF  }
0x3e2: {  	_ =	shalt  }

</sc_bundles>
